<compile_context>
chip_gen: v7x
topology: tpu7x:2x2x1
jax: 0.10.2.dev20260603
libtpu: 0.0.44.dev20260713+nightly
codegen_flags: <defaults>
</compile_context>

<pallas_src>
import functools
import jax
import jax.numpy as jnp
from jax import lax
from jax.experimental import pallas as pl
from jax.experimental.pallas import tpu as pltpu
from jax.experimental.pallas import tpu_sc as plsc

_NC = 2
_NS = 16
_NW = _NC * _NS
_L = 16
_CHUNK = 4
_NBUF = 6

_SC_ROWS = 512
_TC_BLK = 256


def _sc_body(row_base, rows_per_w, batch, d_model,
             emb_hbm, pos_hbm, out_hbm, *scratch):
    emb_bufs = scratch[0:_NBUF]
    pos_bufs = scratch[_NBUF:2 * _NBUF]
    emb_sems = scratch[2 * _NBUF:3 * _NBUF]
    pos_sems = scratch[3 * _NBUF:4 * _NBUF]
    out_sems = scratch[4 * _NBUF:5 * _NBUF]

    wid = lax.axis_index("s") * _NC + lax.axis_index("c")
    row0 = row_base + wid * rows_per_w
    n_chunks = rows_per_w // _CHUNK
    n_dv = d_model // _L

    def start_in(k):
        b = k % _NBUF
        base = row0 + k * _CHUNK
        h_e = pltpu.async_copy(emb_hbm.at[pl.ds(base, _CHUNK)], emb_bufs[b], emb_sems[b])
        h_p = pltpu.async_copy(pos_hbm.at[pl.ds(base, _CHUNK)], pos_bufs[b], pos_sems[b])
        return h_e, h_p

    def start_out(k):
        b = k % _NBUF
        base = row0 + k * _CHUNK
        return pltpu.async_copy(emb_bufs[b], out_hbm.at[pl.ds(base, _CHUNK)], out_sems[b])

    def compute(k):
        b = k % _NBUF
        emb = emb_bufs[b]
        pos = pos_bufs[b]

        def s_body(s, c):
            @plsc.parallel_loop(0, n_dv // 2, unroll=4)
            def d_body(j):
                d = j * (2 * _L)
                p0 = pos[s, pl.ds(d, _L)]
                p1 = pos[s, pl.ds(d + _L, _L)]
                for bb in range(batch):
                    emb[s, bb, pl.ds(d, _L)] = emb[s, bb, pl.ds(d, _L)] + p0
                    emb[s, bb, pl.ds(d + _L, _L)] = emb[s, bb, pl.ds(d + _L, _L)] + p1

            return c

        lax.fori_loop(0, _CHUNK, s_body, 0)

    in_h = {}
    out_h = {}
    for k in range(min(_NBUF - 1, n_chunks)):
        in_h[k] = start_in(k)
    for k in range(n_chunks):
        nxt = k + _NBUF - 1
        if nxt < n_chunks:
            prev = nxt - _NBUF
            if prev >= 0:
                out_h[prev].wait()
            in_h[nxt] = start_in(nxt)
        h_e, h_p = in_h.pop(k)
        h_e.wait()
        h_p.wait()
        compute(k)
        out_h[k] = start_out(k)
    for k in range(max(0, n_chunks - _NBUF), n_chunks):
        if k in out_h:
            out_h[k].wait()


def _sc_part(embedding, pos_table):
    seq_len, batch, d_model = embedding.shape
    tc_rows = seq_len - _SC_ROWS
    rows_per_w = _SC_ROWS // _NW
    mesh = plsc.VectorSubcoreMesh(core_axis_name="c", subcore_axis_name="s")
    body = functools.partial(_sc_body, tc_rows, rows_per_w, batch, d_model)
    scratch = (
        [pltpu.VMEM((_CHUNK, batch, d_model), jnp.float32) for _ in range(_NBUF)]
        + [pltpu.VMEM((_CHUNK, d_model), jnp.float32) for _ in range(_NBUF)]
        + [pltpu.SemaphoreType.DMA for _ in range(3 * _NBUF)]
    )
    return pl.kernel(
        body,
        out_type=jax.ShapeDtypeStruct(embedding.shape, embedding.dtype),
        mesh=mesh,
        scratch_types=scratch,
    )(embedding, pos_table)


def _tc_add_kernel(emb_ref, pos_ref, acc_ref, out_ref):
    del acc_ref
    out_ref[...] = emb_ref[...] + pos_ref[...][:, None, :]


def _tc_part(embedding, pos_table, sc_full):
    seq_len, batch, d_model = embedding.shape
    tc_rows = seq_len - _SC_ROWS
    return pl.pallas_call(
        _tc_add_kernel,
        grid=(tc_rows // _TC_BLK,),
        in_specs=[
            pl.BlockSpec((_TC_BLK, batch, d_model), lambda i: (i, 0, 0)),
            pl.BlockSpec((_TC_BLK, d_model), lambda i: (i, 0)),
            pl.BlockSpec(memory_space=pl.ANY),
        ],
        out_specs=pl.BlockSpec((_TC_BLK, batch, d_model), lambda i: (i, 0, 0)),
        out_shape=jax.ShapeDtypeStruct(embedding.shape, embedding.dtype),
        input_output_aliases={2: 0},
    )(embedding, pos_table, sc_full)


def kernel(embedding, pos_table):
    sc_full = _sc_part(embedding, pos_table)
    return _tc_part(embedding, pos_table, sc_full)

# --- scband reference (transcript-rebuilt; emitter-appended) ---
"""Pipeline reference for scband-positional-encoding-78116865180412 (READ-ONLY COPY).

The authoritative reference and input builder live on the scoring server;
editing this copy changes nothing except your own understanding.
"""

import jax, jax.numpy as jnp
import numpy as np

D_MODEL = 1024
MAXLEN = 2048
SEQ_LEN = 2048
BATCH = 4

def setup_inputs(seed: int = 0) -> dict:
    key = jax.random.key(seed)
    k1, k2 = jax.random.split(key)
    embedding = jax.random.normal(k1, (SEQ_LEN, BATCH, D_MODEL), dtype=jnp.float32)
    pos_table = jax.random.normal(k2, (MAXLEN, D_MODEL), dtype=jnp.float32) * 0.02
    return {"embedding": embedding, "pos_table": pos_table}

def reference(embedding, pos_table):
    # embedding: (seq_len, batch, d_model)
    seq_len = embedding.shape[0]
    positions = jnp.arange(MAXLEN)[:, None]  # (maxlen, 1) buffer
    pos = positions[:seq_len]                # (seq_len, 1)
    # nn.Embedding lookup -> gather along axis 0; result (seq_len, 1, d_model)
    pe = jnp.take(pos_table, pos, axis=0)
    # dropout in eval mode is identity
    return embedding + pe

if __name__ == "__main__":
    import jax
    _d = setup_inputs()
    print(jax.jit(kernel)(*tuple(_d.values())))

</pallas_src>

<mosaic_0001>
#map = affine_map<(d0, d1) -> (0, 0, 0)>
#map1 = affine_map<(d0, d1) -> (0, 0)>
module attributes {stable_mosaic.version = 14 : i64} {
  func.func @_sc_body(%arg0: i32, %arg1: i32, %arg2: memref<2048x4x1024xf32, #tpu.memory_space<hbm>>, %arg3: memref<2048x1024xf32, #tpu.memory_space<hbm>>, %arg4: memref<2048x4x1024xf32, #tpu.memory_space<hbm>>, %arg5: memref<4x4x1024xf32, #tpu.memory_space<vmem>>, %arg6: memref<4x4x1024xf32, #tpu.memory_space<vmem>>, %arg7: memref<4x4x1024xf32, #tpu.memory_space<vmem>>, %arg8: memref<4x4x1024xf32, #tpu.memory_space<vmem>>, %arg9: memref<4x4x1024xf32, #tpu.memory_space<vmem>>, %arg10: memref<4x4x1024xf32, #tpu.memory_space<vmem>>, %arg11: memref<4x1024xf32, #tpu.memory_space<vmem>>, %arg12: memref<4x1024xf32, #tpu.memory_space<vmem>>, %arg13: memref<4x1024xf32, #tpu.memory_space<vmem>>, %arg14: memref<4x1024xf32, #tpu.memory_space<vmem>>, %arg15: memref<4x1024xf32, #tpu.memory_space<vmem>>, %arg16: memref<4x1024xf32, #tpu.memory_space<vmem>>, %arg17: memref<!tpu.dma_semaphore, #tpu.memory_space<semaphore_mem>>, %arg18: memref<!tpu.dma_semaphore, #tpu.memory_space<semaphore_mem>>, %arg19: memref<!tpu.dma_semaphore, #tpu.memory_space<semaphore_mem>>, %arg20: memref<!tpu.dma_semaphore, #tpu.memory_space<semaphore_mem>>, %arg21: memref<!tpu.dma_semaphore, #tpu.memory_space<semaphore_mem>>, %arg22: memref<!tpu.dma_semaphore, #tpu.memory_space<semaphore_mem>>, %arg23: memref<!tpu.dma_semaphore, #tpu.memory_space<semaphore_mem>>, %arg24: memref<!tpu.dma_semaphore, #tpu.memory_space<semaphore_mem>>, %arg25: memref<!tpu.dma_semaphore, #tpu.memory_space<semaphore_mem>>, %arg26: memref<!tpu.dma_semaphore, #tpu.memory_space<semaphore_mem>>, %arg27: memref<!tpu.dma_semaphore, #tpu.memory_space<semaphore_mem>>, %arg28: memref<!tpu.dma_semaphore, #tpu.memory_space<semaphore_mem>>, %arg29: memref<!tpu.dma_semaphore, #tpu.memory_space<semaphore_mem>>, %arg30: memref<!tpu.dma_semaphore, #tpu.memory_space<semaphore_mem>>, %arg31: memref<!tpu.dma_semaphore, #tpu.memory_space<semaphore_mem>>, %arg32: memref<!tpu.dma_semaphore, #tpu.memory_space<semaphore_mem>>, %arg33: memref<!tpu.dma_semaphore, #tpu.memory_space<semaphore_mem>>, %arg34: memref<!tpu.dma_semaphore, #tpu.memory_space<semaphore_mem>>) attributes {dimension_semantics = [#tpu.dimension_semantics<core_parallel>, #tpu.dimension_semantics<subcore_parallel>], iteration_bounds = array<i64: 2, 16>, scalar_prefetch = 0 : i64, scratch_operands = 30 : i64, tpu.core_type = #tpu.core_type<sc_vector_subcore>, window_params = [{transform_indices = #map}, {transform_indices = #map1}, {transform_indices = #map}]} {
    %mul3A = arith.constant 2 : i32
    %mul3A_0 = arith.muli %arg1, %mul3A : i32
    %add3A = arith.addi %mul3A_0, %arg0 : i32
    %mul3A_1 = arith.constant 16 : i32
    %mul3A_2 = arith.muli %add3A, %mul3A_1 : i32
    %add3A_3 = arith.constant 1536 : i32
    %add3A_4 = arith.addi %add3A_3, %mul3A_2 : i32
    %add3A_5 = arith.constant 0 : i32
    %add3A_6 = arith.addi %add3A_4, %add3A_5 : i32
    %dma_start3A = arith.constant 0 : i32
    %dma_start3A_7 = arith.constant 0 : i32
    %dma_start3A_8 = tpu.memref_slice %arg2[%add3A_6, %dma_start3A, %dma_start3A_7] : memref<2048x4x1024xf32, #tpu.memory_space<hbm>> -> memref<4x4x1024xf32, #tpu.memory_space<hbm>>
    %dma_start3A_9 = arith.constant 0 : i32
    %dma_start3A_10 = arith.constant 0 : i32
    %dma_start3A_11 = tpu.memref_slice %arg2[%add3A_6, %dma_start3A_9, %dma_start3A_10] : memref<2048x4x1024xf32, #tpu.memory_space<hbm>> -> memref<4x4x1024xf32, #tpu.memory_space<hbm>>
    tpu.enqueue_dma source(%dma_start3A_11 : memref<4x4x1024xf32, #tpu.memory_space<hbm>>) target(%arg5 : memref<4x4x1024xf32, #tpu.memory_space<vmem>>) target_semaphore(%arg17 : memref<!tpu.dma_semaphore, #tpu.memory_space<semaphore_mem>>)
    %dma_start3A_12 = arith.constant 0 : i32
    %dma_start3A_13 = tpu.memref_slice %arg3[%add3A_6, %dma_start3A_12] : memref<2048x1024xf32, #tpu.memory_space<hbm>> -> memref<4x1024xf32, #tpu.memory_space<hbm>>
    %dma_start3A_14 = arith.constant 0 : i32
    %dma_start3A_15 = tpu.memref_slice %arg3[%add3A_6, %dma_start3A_14] : memref<2048x1024xf32, #tpu.memory_space<hbm>> -> memref<4x1024xf32, #tpu.memory_space<hbm>>
    tpu.enqueue_dma source(%dma_start3A_15 : memref<4x1024xf32, #tpu.memory_space<hbm>>) target(%arg11 : memref<4x1024xf32, #tpu.memory_space<vmem>>) target_semaphore(%arg23 : memref<!tpu.dma_semaphore, #tpu.memory_space<semaphore_mem>>)
    %add3A_16 = arith.constant 4 : i32
    %add3A_17 = arith.addi %add3A_4, %add3A_16 : i32
    %dma_start3A_18 = arith.constant 0 : i32
    %dma_start3A_19 = arith.constant 0 : i32
    %dma_start3A_20 = tpu.memref_slice %arg2[%add3A_17, %dma_start3A_18, %dma_start3A_19] : memref<2048x4x1024xf32, #tpu.memory_space<hbm>> -> memref<4x4x1024xf32, #tpu.memory_space<hbm>>
    %dma_start3A_21 = arith.constant 0 : i32
    %dma_start3A_22 = arith.constant 0 : i32
    %dma_start3A_23 = tpu.memref_slice %arg2[%add3A_17, %dma_start3A_21, %dma_start3A_22] : memref<2048x4x1024xf32, #tpu.memory_space<hbm>> -> memref<4x4x1024xf32, #tpu.memory_space<hbm>>
    tpu.enqueue_dma source(%dma_start3A_23 : memref<4x4x1024xf32, #tpu.memory_space<hbm>>) target(%arg6 : memref<4x4x1024xf32, #tpu.memory_space<vmem>>) target_semaphore(%arg18 : memref<!tpu.dma_semaphore, #tpu.memory_space<semaphore_mem>>)
    %dma_start3A_24 = arith.constant 0 : i32
    %dma_start3A_25 = tpu.memref_slice %arg3[%add3A_17, %dma_start3A_24] : memref<2048x1024xf32, #tpu.memory_space<hbm>> -> memref<4x1024xf32, #tpu.memory_space<hbm>>
    %dma_start3A_26 = arith.constant 0 : i32
    %dma_start3A_27 = tpu.memref_slice %arg3[%add3A_17, %dma_start3A_26] : memref<2048x1024xf32, #tpu.memory_space<hbm>> -> memref<4x1024xf32, #tpu.memory_space<hbm>>
    tpu.enqueue_dma source(%dma_start3A_27 : memref<4x1024xf32, #tpu.memory_space<hbm>>) target(%arg12 : memref<4x1024xf32, #tpu.memory_space<vmem>>) target_semaphore(%arg24 : memref<!tpu.dma_semaphore, #tpu.memory_space<semaphore_mem>>)
    %add3A_28 = arith.constant 8 : i32
    %add3A_29 = arith.addi %add3A_4, %add3A_28 : i32
    %dma_start3A_30 = arith.constant 0 : i32
    %dma_start3A_31 = arith.constant 0 : i32
    %dma_start3A_32 = tpu.memref_slice %arg2[%add3A_29, %dma_start3A_30, %dma_start3A_31] : memref<2048x4x1024xf32, #tpu.memory_space<hbm>> -> memref<4x4x1024xf32, #tpu.memory_space<hbm>>
    %dma_start3A_33 = arith.constant 0 : i32
    %dma_start3A_34 = arith.constant 0 : i32
    %dma_start3A_35 = tpu.memref_slice %arg2[%add3A_29, %dma_start3A_33, %dma_start3A_34] : memref<2048x4x1024xf32, #tpu.memory_space<hbm>> -> memref<4x4x1024xf32, #tpu.memory_space<hbm>>
    tpu.enqueue_dma source(%dma_start3A_35 : memref<4x4x1024xf32, #tpu.memory_space<hbm>>) target(%arg7 : memref<4x4x1024xf32, #tpu.memory_space<vmem>>) target_semaphore(%arg19 : memref<!tpu.dma_semaphore, #tpu.memory_space<semaphore_mem>>)
    %dma_start3A_36 = arith.constant 0 : i32
    %dma_start3A_37 = tpu.memref_slice %arg3[%add3A_29, %dma_start3A_36] : memref<2048x1024xf32, #tpu.memory_space<hbm>> -> memref<4x1024xf32, #tpu.memory_space<hbm>>
    %dma_start3A_38 = arith.constant 0 : i32
    %dma_start3A_39 = tpu.memref_slice %arg3[%add3A_29, %dma_start3A_38] : memref<2048x1024xf32, #tpu.memory_space<hbm>> -> memref<4x1024xf32, #tpu.memory_space<hbm>>
    tpu.enqueue_dma source(%dma_start3A_39 : memref<4x1024xf32, #tpu.memory_space<hbm>>) target(%arg13 : memref<4x1024xf32, #tpu.memory_space<vmem>>) target_semaphore(%arg25 : memref<!tpu.dma_semaphore, #tpu.memory_space<semaphore_mem>>)
    %add3A_40 = arith.constant 12 : i32
    %add3A_41 = arith.addi %add3A_4, %add3A_40 : i32
    %dma_start3A_42 = arith.constant 0 : i32
    %dma_start3A_43 = arith.constant 0 : i32
    %dma_start3A_44 = tpu.memref_slice %arg2[%add3A_41, %dma_start3A_42, %dma_start3A_43] : memref<2048x4x1024xf32, #tpu.memory_space<hbm>> -> memref<4x4x1024xf32, #tpu.memory_space<hbm>>
    %dma_start3A_45 = arith.constant 0 : i32
    %dma_start3A_46 = arith.constant 0 : i32
    %dma_start3A_47 = tpu.memref_slice %arg2[%add3A_41, %dma_start3A_45, %dma_start3A_46] : memref<2048x4x1024xf32, #tpu.memory_space<hbm>> -> memref<4x4x1024xf32, #tpu.memory_space<hbm>>
    tpu.enqueue_dma source(%dma_start3A_47 : memref<4x4x1024xf32, #tpu.memory_space<hbm>>) target(%arg8 : memref<4x4x1024xf32, #tpu.memory_space<vmem>>) target_semaphore(%arg20 : memref<!tpu.dma_semaphore, #tpu.memory_space<semaphore_mem>>)
    %dma_start3A_48 = arith.constant 0 : i32
    %dma_start3A_49 = tpu.memref_slice %arg3[%add3A_41, %dma_start3A_48] : memref<2048x1024xf32, #tpu.memory_space<hbm>> -> memref<4x1024xf32, #tpu.memory_space<hbm>>
    %dma_start3A_50 = arith.constant 0 : i32
    %dma_start3A_51 = tpu.memref_slice %arg3[%add3A_41, %dma_start3A_50] : memref<2048x1024xf32, #tpu.memory_space<hbm>> -> memref<4x1024xf32, #tpu.memory_space<hbm>>
    tpu.enqueue_dma source(%dma_start3A_51 : memref<4x1024xf32, #tpu.memory_space<hbm>>) target(%arg14 : memref<4x1024xf32, #tpu.memory_space<vmem>>) target_semaphore(%arg26 : memref<!tpu.dma_semaphore, #tpu.memory_space<semaphore_mem>>)
    %dma_wait3A = arith.constant 0 : i32
    %dma_wait3A_52 = arith.constant 0 : i32
    %dma_wait3A_53 = tpu.memref_slice %arg2[%add3A_6, %dma_wait3A, %dma_wait3A_52] : memref<2048x4x1024xf32, #tpu.memory_space<hbm>> -> memref<4x4x1024xf32, #tpu.memory_space<hbm>>
    %dma_wait3A_54 = arith.constant 0 : i32
    %dma_wait3A_55 = arith.constant 0 : i32
    %dma_wait3A_56 = tpu.memref_slice %arg2[%add3A_6, %dma_wait3A_54, %dma_wait3A_55] : memref<2048x4x1024xf32, #tpu.memory_space<hbm>> -> memref<4x4x1024xf32, #tpu.memory_space<hbm>>
    tpu.wait_dma2 semaphore(%arg17 : memref<!tpu.dma_semaphore, #tpu.memory_space<semaphore_mem>>) src(%dma_wait3A_56 : memref<4x4x1024xf32, #tpu.memory_space<hbm>>) dst(%arg5 : memref<4x4x1024xf32, #tpu.memory_space<vmem>>)
    %dma_wait3A_57 = arith.constant 0 : i32
    %dma_wait3A_58 = tpu.memref_slice %arg3[%add3A_6, %dma_wait3A_57] : memref<2048x1024xf32, #tpu.memory_space<hbm>> -> memref<4x1024xf32, #tpu.memory_space<hbm>>
    %dma_wait3A_59 = arith.constant 0 : i32
    %dma_wait3A_60 = tpu.memref_slice %arg3[%add3A_6, %dma_wait3A_59] : memref<2048x1024xf32, #tpu.memory_space<hbm>> -> memref<4x1024xf32, #tpu.memory_space<hbm>>
    tpu.wait_dma2 semaphore(%arg23 : memref<!tpu.dma_semaphore, #tpu.memory_space<semaphore_mem>>) src(%dma_wait3A_60 : memref<4x1024xf32, #tpu.memory_space<hbm>>) dst(%arg11 : memref<4x1024xf32, #tpu.memory_space<vmem>>)
    %scan3A = arith.constant 0 : i32
    %scan3A_61 = arith.constant 0 : i32
    %scan3A_62 = arith.constant 4 : i32
    %scan3A_63 = arith.addi %scan3A_61, %scan3A_62 : i32
    %scan3A_64 = arith.constant 1 : i32
    scf.for %scan3A_170 = %scan3A_61 to %scan3A_63 step %scan3A_64  : i32 {
      %parallel_loop3A = arith.constant 0 : i32
      %parallel_loop3A_171 = arith.constant 32 : i32
      %parallel_loop3A_172 = arith.constant 1 : i32
      scf.for %parallel_loop3A_173 = %parallel_loop3A to %parallel_loop3A_171 step %parallel_loop3A_172  : i32 {
        %parallel_loop3A_174 = arith.constant 32 : i32
        %parallel_loop3A_175 = arith.muli %parallel_loop3A_173, %parallel_loop3A_174 : i32
        %parallel_loop3A_176 = arith.index_cast %scan3A_170 : i32 to index
        %parallel_loop3A_177 = arith.index_cast %parallel_loop3A_175 : i32 to index
        %parallel_loop3A_178 = tpu.vector_load %arg11[%parallel_loop3A_176, %parallel_loop3A_177] {strides = array<i32>} : memref<4x1024xf32, #tpu.memory_space<vmem>>, vector<1x16xf32>,
        %parallel_loop3A_179 = vector.shape_cast %parallel_loop3A_178 : vector<1x16xf32> to vector<16xf32>
        %parallel_loop3A_180 = arith.constant 16 : i32
        %parallel_loop3A_181 = arith.addi %parallel_loop3A_175, %parallel_loop3A_180 : i32
        %parallel_loop3A_182 = arith.index_cast %scan3A_170 : i32 to index
        %parallel_loop3A_183 = arith.index_cast %parallel_loop3A_181 : i32 to index
        %parallel_loop3A_184 = tpu.vector_load %arg11[%parallel_loop3A_182, %parallel_loop3A_183] {strides = array<i32>} : memref<4x1024xf32, #tpu.memory_space<vmem>>, vector<1x16xf32>,
        %parallel_loop3A_185 = vector.shape_cast %parallel_loop3A_184 : vector<1x16xf32> to vector<16xf32>
        %parallel_loop3A_186 = arith.constant 0 : i32
        %parallel_loop3A_187 = arith.index_cast %scan3A_170 : i32 to index
        %parallel_loop3A_188 = arith.index_cast %parallel_loop3A_186 : i32 to index
        %parallel_loop3A_189 = arith.index_cast %parallel_loop3A_175 : i32 to index
        %parallel_loop3A_190 = tpu.vector_load %arg5[%parallel_loop3A_187, %parallel_loop3A_188, %parallel_loop3A_189] {strides = array<i32>} : memref<4x4x1024xf32, #tpu.memory_space<vmem>>, vector<1x1x16xf32>,
        %parallel_loop3A_191 = vector.shape_cast %parallel_loop3A_190 : vector<1x1x16xf32> to vector<16xf32>
        %parallel_loop3A_192 = arith.addf %parallel_loop3A_191, %parallel_loop3A_179 : vector<16xf32>
        %parallel_loop3A_193 = arith.constant 0 : i32
        %parallel_loop3A_194 = arith.index_cast %scan3A_170 : i32 to index
        %parallel_loop3A_195 = arith.index_cast %parallel_loop3A_193 : i32 to index
        %parallel_loop3A_196 = arith.index_cast %parallel_loop3A_175 : i32 to index
        %parallel_loop3A_197 = tpu.vector_load %arg5[%parallel_loop3A_194, %parallel_loop3A_195, %parallel_loop3A_196] {strides = array<i32>} : memref<4x4x1024xf32, #tpu.memory_space<vmem>>, vector<1x1x16xf32>,
        %parallel_loop3A_198 = vector.shape_cast %parallel_loop3A_197 : vector<1x1x16xf32> to vector<16xf32>
        %parallel_loop3A_199 = vector.shape_cast %parallel_loop3A_192 : vector<16xf32> to vector<1x1x16xf32>
        tpu.vector_store %arg5[%parallel_loop3A_194, %parallel_loop3A_195, %parallel_loop3A_196], %parallel_loop3A_199 {strides = array<i32>} : memref<4x4x1024xf32, #tpu.memory_space<vmem>>, vector<1x1x16xf32>,
        %parallel_loop3A_200 = arith.constant 16 : i32
        %parallel_loop3A_201 = arith.addi %parallel_loop3A_175, %parallel_loop3A_200 : i32
        %parallel_loop3A_202 = arith.constant 0 : i32
        %parallel_loop3A_203 = arith.index_cast %scan3A_170 : i32 to index
        %parallel_loop3A_204 = arith.index_cast %parallel_loop3A_202 : i32 to index
        %parallel_loop3A_205 = arith.index_cast %parallel_loop3A_201 : i32 to index
        %parallel_loop3A_206 = tpu.vector_load %arg5[%parallel_loop3A_203, %parallel_loop3A_204, %parallel_loop3A_205] {strides = array<i32>} : memref<4x4x1024xf32, #tpu.memory_space<vmem>>, vector<1x1x16xf32>,
        %parallel_loop3A_207 = vector.shape_cast %parallel_loop3A_206 : vector<1x1x16xf32> to vector<16xf32>
        %parallel_loop3A_208 = arith.addf %parallel_loop3A_207, %parallel_loop3A_185 : vector<16xf32>
        %parallel_loop3A_209 = arith.constant 16 : i32
        %parallel_loop3A_210 = arith.addi %parallel_loop3A_175, %parallel_loop3A_209 : i32
        %parallel_loop3A_211 = arith.constant 0 : i32
        %parallel_loop3A_212 = arith.index_cast %scan3A_170 : i32 to index
        %parallel_loop3A_213 = arith.index_cast %parallel_loop3A_211 : i32 to index
        %parallel_loop3A_214 = arith.index_cast %parallel_loop3A_210 : i32 to index
        %parallel_loop3A_215 = tpu.vector_load %arg5[%parallel_loop3A_212, %parallel_loop3A_213, %parallel_loop3A_214] {strides = array<i32>} : memref<4x4x1024xf32, #tpu.memory_space<vmem>>, vector<1x1x16xf32>,
        %parallel_loop3A_216 = vector.shape_cast %parallel_loop3A_215 : vector<1x1x16xf32> to vector<16xf32>
        %parallel_loop3A_217 = vector.shape_cast %parallel_loop3A_208 : vector<16xf32> to vector<1x1x16xf32>
        tpu.vector_store %arg5[%parallel_loop3A_212, %parallel_loop3A_213, %parallel_loop3A_214], %parallel_loop3A_217 {strides = array<i32>} : memref<4x4x1024xf32, #tpu.memory_space<vmem>>, vector<1x1x16xf32>,
        %parallel_loop3A_218 = arith.constant 1 : i32
        %parallel_loop3A_219 = arith.index_cast %scan3A_170 : i32 to index
        %parallel_loop3A_220 = arith.index_cast %parallel_loop3A_218 : i32 to index
        %parallel_loop3A_221 = arith.index_cast %parallel_loop3A_175 : i32 to index
        %parallel_loop3A_222 = tpu.vector_load %arg5[%parallel_loop3A_219, %parallel_loop3A_220, %parallel_loop3A_221] {strides = array<i32>} : memref<4x4x1024xf32, #tpu.memory_space<vmem>>, vector<1x1x16xf32>,
        %parallel_loop3A_223 = vector.shape_cast %parallel_loop3A_222 : vector<1x1x16xf32> to vector<16xf32>
        %parallel_loop3A_224 = arith.addf %parallel_loop3A_223, %parallel_loop3A_179 : vector<16xf32>
        %parallel_loop3A_225 = arith.constant 1 : i32
        %parallel_loop3A_226 = arith.index_cast %scan3A_170 : i32 to index
        %parallel_loop3A_227 = arith.index_cast %parallel_loop3A_225 : i32 to index
        %parallel_loop3A_228 = arith.index_cast %parallel_loop3A_175 : i32 to index
        %parallel_loop3A_229 = tpu.vector_load %arg5[%parallel_loop3A_226, %parallel_loop3A_227, %parallel_loop3A_228] {strides = array<i32>} : memref<4x4x1024xf32, #tpu.memory_space<vmem>>, vector<1x1x16xf32>,
        %parallel_loop3A_230 = vector.shape_cast %parallel_loop3A_229 : vector<1x1x16xf32> to vector<16xf32>
        %parallel_loop3A_231 = vector.shape_cast %parallel_loop3A_224 : vector<16xf32> to vector<1x1x16xf32>
        tpu.vector_store %arg5[%parallel_loop3A_226, %parallel_loop3A_227, %parallel_loop3A_228], %parallel_loop3A_231 {strides = array<i32>} : memref<4x4x1024xf32, #tpu.memory_space<vmem>>, vector<1x1x16xf32>,
        %parallel_loop3A_232 = arith.constant 16 : i32
        %parallel_loop3A_233 = arith.addi %parallel_loop3A_175, %parallel_loop3A_232 : i32
        %parallel_loop3A_234 = arith.constant 1 : i32
        %parallel_loop3A_235 = arith.index_cast %scan3A_170 : i32 to index
        %parallel_loop3A_236 = arith.index_cast %parallel_loop3A_234 : i32 to index
        %parallel_loop3A_237 = arith.index_cast %parallel_loop3A_233 : i32 to index
        %parallel_loop3A_238 = tpu.vector_load %arg5[%parallel_loop3A_235, %parallel_loop3A_236, %parallel_loop3A_237] {strides = array<i32>} : memref<4x4x1024xf32, #tpu.memory_space<vmem>>, vector<1x1x16xf32>,
        %parallel_loop3A_239 = vector.shape_cast %parallel_loop3A_238 : vector<1x1x16xf32> to vector<16xf32>
        %parallel_loop3A_240 = arith.addf %parallel_loop3A_239, %parallel_loop3A_185 : vector<16xf32>
        %parallel_loop3A_241 = arith.constant 16 : i32
        %parallel_loop3A_242 = arith.addi %parallel_loop3A_175, %parallel_loop3A_241 : i32
        %parallel_loop3A_243 = arith.constant 1 : i32
        %parallel_loop3A_244 = arith.index_cast %scan3A_170 : i32 to index
        %parallel_loop3A_245 = arith.index_cast %parallel_loop3A_243 : i32 to index
        %parallel_loop3A_246 = arith.index_cast %parallel_loop3A_242 : i32 to index
        %parallel_loop3A_247 = tpu.vector_load %arg5[%parallel_loop3A_244, %parallel_loop3A_245, %parallel_loop3A_246] {strides = array<i32>} : memref<4x4x1024xf32, #tpu.memory_space<vmem>>, vector<1x1x16xf32>,
        %parallel_loop3A_248 = vector.shape_cast %parallel_loop3A_247 : vector<1x1x16xf32> to vector<16xf32>
        %parallel_loop3A_249 = vector.shape_cast %parallel_loop3A_240 : vector<16xf32> to vector<1x1x16xf32>
        tpu.vector_store %arg5[%parallel_loop3A_244, %parallel_loop3A_245, %parallel_loop3A_246], %parallel_loop3A_249 {strides = array<i32>} : memref<4x4x1024xf32, #tpu.memory_space<vmem>>, vector<1x1x16xf32>,
        %parallel_loop3A_250 = arith.constant 2 : i32
        %parallel_loop3A_251 = arith.index_cast %scan3A_170 : i32 to index
        %parallel_loop3A_252 = arith.index_cast %parallel_loop3A_250 : i32 to index
        %parallel_loop3A_253 = arith.index_cast %parallel_loop3A_175 : i32 to index
        %parallel_loop3A_254 = tpu.vector_load %arg5[%parallel_loop3A_251, %parallel_loop3A_252, %parallel_loop3A_253] {strides = array<i32>} : memref<4x4x1024xf32, #tpu.memory_space<vmem>>, vector<1x1x16xf32>,
        %parallel_loop3A_255 = vector.shape_cast %parallel_loop3A_254 : vector<1x1x16xf32> to vector<16xf32>
        %parallel_loop3A_256 = arith.addf %parallel_loop3A_255, %parallel_loop3A_179 : vector<16xf32>
        %parallel_loop3A_257 = arith.constant 2 : i32
        %parallel_loop3A_258 = arith.index_cast %scan3A_170 : i32 to index
        %parallel_loop3A_259 = arith.index_cast %parallel_loop3A_257 : i32 to index
        %parallel_loop3A_260 = arith.index_cast %parallel_loop3A_175 : i32 to index
        %parallel_loop3A_261 = tpu.vector_load %arg5[%parallel_loop3A_258, %parallel_loop3A_259, %parallel_loop3A_260] {strides = array<i32>} : memref<4x4x1024xf32, #tpu.memory_space<vmem>>, vector<1x1x16xf32>,
        %parallel_loop3A_262 = vector.shape_cast %parallel_loop3A_261 : vector<1x1x16xf32> to vector<16xf32>
        %parallel_loop3A_263 = vector.shape_cast %parallel_loop3A_256 : vector<16xf32> to vector<1x1x16xf32>
        tpu.vector_store %arg5[%parallel_loop3A_258, %parallel_loop3A_259, %parallel_loop3A_260], %parallel_loop3A_263 {strides = array<i32>} : memref<4x4x1024xf32, #tpu.memory_space<vmem>>, vector<1x1x16xf32>,
        %parallel_loop3A_264 = arith.constant 16 : i32
        %parallel_loop3A_265 = arith.addi %parallel_loop3A_175, %parallel_loop3A_264 : i32
        %parallel_loop3A_266 = arith.constant 2 : i32
        %parallel_loop3A_267 = arith.index_cast %scan3A_170 : i32 to index
        %parallel_loop3A_268 = arith.index_cast %parallel_loop3A_266 : i32 to index
        %parallel_loop3A_269 = arith.index_cast %parallel_loop3A_265 : i32 to index
        %parallel_loop3A_270 = tpu.vector_load %arg5[%parallel_loop3A_267, %parallel_loop3A_268, %parallel_loop3A_269] {strides = array<i32>} : memref<4x4x1024xf32, #tpu.memory_space<vmem>>, vector<1x1x16xf32>,
        %parallel_loop3A_271 = vector.shape_cast %parallel_loop3A_270 : vector<1x1x16xf32> to vector<16xf32>
        %parallel_loop3A_272 = arith.addf %parallel_loop3A_271, %parallel_loop3A_185 : vector<16xf32>
        %parallel_loop3A_273 = arith.constant 16 : i32
        %parallel_loop3A_274 = arith.addi %parallel_loop3A_175, %parallel_loop3A_273 : i32
        %parallel_loop3A_275 = arith.constant 2 : i32
        %parallel_loop3A_276 = arith.index_cast %scan3A_170 : i32 to index
        %parallel_loop3A_277 = arith.index_cast %parallel_loop3A_275 : i32 to index
        %parallel_loop3A_278 = arith.index_cast %parallel_loop3A_274 : i32 to index
        %parallel_loop3A_279 = tpu.vector_load %arg5[%parallel_loop3A_276, %parallel_loop3A_277, %parallel_loop3A_278] {strides = array<i32>} : memref<4x4x1024xf32, #tpu.memory_space<vmem>>, vector<1x1x16xf32>,
        %parallel_loop3A_280 = vector.shape_cast %parallel_loop3A_279 : vector<1x1x16xf32> to vector<16xf32>
        %parallel_loop3A_281 = vector.shape_cast %parallel_loop3A_272 : vector<16xf32> to vector<1x1x16xf32>
        tpu.vector_store %arg5[%parallel_loop3A_276, %parallel_loop3A_277, %parallel_loop3A_278], %parallel_loop3A_281 {strides = array<i32>} : memref<4x4x1024xf32, #tpu.memory_space<vmem>>, vector<1x1x16xf32>,
        %parallel_loop3A_282 = arith.constant 3 : i32
        %parallel_loop3A_283 = arith.index_cast %scan3A_170 : i32 to index
        %parallel_loop3A_284 = arith.index_cast %parallel_loop3A_282 : i32 to index
        %parallel_loop3A_285 = arith.index_cast %parallel_loop3A_175 : i32 to index
        %parallel_loop3A_286 = tpu.vector_load %arg5[%parallel_loop3A_283, %parallel_loop3A_284, %parallel_loop3A_285] {strides = array<i32>} : memref<4x4x1024xf32, #tpu.memory_space<vmem>>, vector<1x1x16xf32>,
        %parallel_loop3A_287 = vector.shape_cast %parallel_loop3A_286 : vector<1x1x16xf32> to vector<16xf32>
        %parallel_loop3A_288 = arith.addf %parallel_loop3A_287, %parallel_loop3A_179 : vector<16xf32>
        %parallel_loop3A_289 = arith.constant 3 : i32
        %parallel_loop3A_290 = arith.index_cast %scan3A_170 : i32 to index
        %parallel_loop3A_291 = arith.index_cast %parallel_loop3A_289 : i32 to index
        %parallel_loop3A_292 = arith.index_cast %parallel_loop3A_175 : i32 to index
        %parallel_loop3A_293 = tpu.vector_load %arg5[%parallel_loop3A_290, %parallel_loop3A_291, %parallel_loop3A_292] {strides = array<i32>} : memref<4x4x1024xf32, #tpu.memory_space<vmem>>, vector<1x1x16xf32>,
        %parallel_loop3A_294 = vector.shape_cast %parallel_loop3A_293 : vector<1x1x16xf32> to vector<16xf32>
        %parallel_loop3A_295 = vector.shape_cast %parallel_loop3A_288 : vector<16xf32> to vector<1x1x16xf32>
        tpu.vector_store %arg5[%parallel_loop3A_290, %parallel_loop3A_291, %parallel_loop3A_292], %parallel_loop3A_295 {strides = array<i32>} : memref<4x4x1024xf32, #tpu.memory_space<vmem>>, vector<1x1x16xf32>,
        %parallel_loop3A_296 = arith.constant 16 : i32
        %parallel_loop3A_297 = arith.addi %parallel_loop3A_175, %parallel_loop3A_296 : i32
        %parallel_loop3A_298 = arith.constant 3 : i32
        %parallel_loop3A_299 = arith.index_cast %scan3A_170 : i32 to index
        %parallel_loop3A_300 = arith.index_cast %parallel_loop3A_298 : i32 to index
        %parallel_loop3A_301 = arith.index_cast %parallel_loop3A_297 : i32 to index
        %parallel_loop3A_302 = tpu.vector_load %arg5[%parallel_loop3A_299, %parallel_loop3A_300, %parallel_loop3A_301] {strides = array<i32>} : memref<4x4x1024xf32, #tpu.memory_space<vmem>>, vector<1x1x16xf32>,
        %parallel_loop3A_303 = vector.shape_cast %parallel_loop3A_302 : vector<1x1x16xf32> to vector<16xf32>
        %parallel_loop3A_304 = arith.addf %parallel_loop3A_303, %parallel_loop3A_185 : vector<16xf32>
        %parallel_loop3A_305 = arith.constant 16 : i32
        %parallel_loop3A_306 = arith.addi %parallel_loop3A_175, %parallel_loop3A_305 : i32
        %parallel_loop3A_307 = arith.constant 3 : i32
        %parallel_loop3A_308 = arith.index_cast %scan3A_170 : i32 to index
        %parallel_loop3A_309 = arith.index_cast %parallel_loop3A_307 : i32 to index
        %parallel_loop3A_310 = arith.index_cast %parallel_loop3A_306 : i32 to index
        %parallel_loop3A_311 = tpu.vector_load %arg5[%parallel_loop3A_308, %parallel_loop3A_309, %parallel_loop3A_310] {strides = array<i32>} : memref<4x4x1024xf32, #tpu.memory_space<vmem>>, vector<1x1x16xf32>,
        %parallel_loop3A_312 = vector.shape_cast %parallel_loop3A_311 : vector<1x1x16xf32> to vector<16xf32>
        %parallel_loop3A_313 = vector.shape_cast %parallel_loop3A_304 : vector<16xf32> to vector<1x1x16xf32>
        tpu.vector_store %arg5[%parallel_loop3A_308, %parallel_loop3A_309, %parallel_loop3A_310], %parallel_loop3A_313 {strides = array<i32>} : memref<4x4x1024xf32, #tpu.memory_space<vmem>>, vector<1x1x16xf32>,
      } {sc.loop_unroll_factor = 4 : i64, sc.parallel_access}
    }
    %scan3A_65 = arith.constant 4 : i32
    %add3A_66 = arith.constant 0 : i32
    %add3A_67 = arith.addi %add3A_4, %add3A_66 : i32
    %dma_start3A_68 = arith.constant 0 : i32
    %dma_start3A_69 = arith.constant 0 : i32
    %dma_start3A_70 = tpu.memref_slice %arg4[%add3A_67, %dma_start3A_68, %dma_start3A_69] : memref<2048x4x1024xf32, #tpu.memory_space<hbm>> -> memref<4x4x1024xf32, #tpu.memory_space<hbm>>
    %dma_start3A_71 = arith.constant 0 : i32
    %dma_start3A_72 = arith.constant 0 : i32
    %dma_start3A_73 = tpu.memref_slice %arg4[%add3A_67, %dma_start3A_71, %dma_start3A_72] : memref<2048x4x1024xf32, #tpu.memory_space<hbm>> -> memref<4x4x1024xf32, #tpu.memory_space<hbm>>
    tpu.enqueue_dma source(%arg5 : memref<4x4x1024xf32, #tpu.memory_space<vmem>>) target(%dma_start3A_73 : memref<4x4x1024xf32, #tpu.memory_space<hbm>>) target_semaphore(%arg29 : memref<!tpu.dma_semaphore, #tpu.memory_space<semaphore_mem>>)
    %dma_wait3A_74 = arith.constant 0 : i32
    %dma_wait3A_75 = arith.constant 0 : i32
    %dma_wait3A_76 = tpu.memref_slice %arg2[%add3A_17, %dma_wait3A_74, %dma_wait3A_75] : memref<2048x4x1024xf32, #tpu.memory_space<hbm>> -> memref<4x4x1024xf32, #tpu.memory_space<hbm>>
    %dma_wait3A_77 = arith.constant 0 : i32
    %dma_wait3A_78 = arith.constant 0 : i32
    %dma_wait3A_79 = tpu.memref_slice %arg2[%add3A_17, %dma_wait3A_77, %dma_wait3A_78] : memref<2048x4x1024xf32, #tpu.memory_space<hbm>> -> memref<4x4x1024xf32, #tpu.memory_space<hbm>>
    tpu.wait_dma2 semaphore(%arg18 : memref<!tpu.dma_semaphore, #tpu.memory_space<semaphore_mem>>) src(%dma_wait3A_79 : memref<4x4x1024xf32, #tpu.memory_space<hbm>>) dst(%arg6 : memref<4x4x1024xf32, #tpu.memory_space<vmem>>)
    %dma_wait3A_80 = arith.constant 0 : i32
    %dma_wait3A_81 = tpu.memref_slice %arg3[%add3A_17, %dma_wait3A_80] : memref<2048x1024xf32, #tpu.memory_space<hbm>> -> memref<4x1024xf32, #tpu.memory_space<hbm>>
    %dma_wait3A_82 = arith.constant 0 : i32
    %dma_wait3A_83 = tpu.memref_slice %arg3[%add3A_17, %dma_wait3A_82] : memref<2048x1024xf32, #tpu.memory_space<hbm>> -> memref<4x1024xf32, #tpu.memory_space<hbm>>
    tpu.wait_dma2 semaphore(%arg24 : memref<!tpu.dma_semaphore, #tpu.memory_space<semaphore_mem>>) src(%dma_wait3A_83 : memref<4x1024xf32, #tpu.memory_space<hbm>>) dst(%arg12 : memref<4x1024xf32, #tpu.memory_space<vmem>>)
    %scan3A_84 = arith.constant 0 : i32
    %scan3A_85 = arith.constant 0 : i32
    %scan3A_86 = arith.constant 4 : i32
    %scan3A_87 = arith.addi %scan3A_85, %scan3A_86 : i32
    %scan3A_88 = arith.constant 1 : i32
    scf.for %scan3A_170 = %scan3A_85 to %scan3A_87 step %scan3A_88  : i32 {
      %parallel_loop3A = arith.constant 0 : i32
      %parallel_loop3A_171 = arith.constant 32 : i32
      %parallel_loop3A_172 = arith.constant 1 : i32
      scf.for %parallel_loop3A_173 = %parallel_loop3A to %parallel_loop3A_171 step %parallel_loop3A_172  : i32 {
        %parallel_loop3A_174 = arith.constant 32 : i32
        %parallel_loop3A_175 = arith.muli %parallel_loop3A_173, %parallel_loop3A_174 : i32
        %parallel_loop3A_176 = arith.index_cast %scan3A_170 : i32 to index
        %parallel_loop3A_177 = arith.index_cast %parallel_loop3A_175 : i32 to index
        %parallel_loop3A_178 = tpu.vector_load %arg12[%parallel_loop3A_176, %parallel_loop3A_177] {strides = array<i32>} : memref<4x1024xf32, #tpu.memory_space<vmem>>, vector<1x16xf32>,
        %parallel_loop3A_179 = vector.shape_cast %parallel_loop3A_178 : vector<1x16xf32> to vector<16xf32>
        %parallel_loop3A_180 = arith.constant 16 : i32
        %parallel_loop3A_181 = arith.addi %parallel_loop3A_175, %parallel_loop3A_180 : i32
        %parallel_loop3A_182 = arith.index_cast %scan3A_170 : i32 to index
        %parallel_loop3A_183 = arith.index_cast %parallel_loop3A_181 : i32 to index
        %parallel_loop3A_184 = tpu.vector_load %arg12[%parallel_loop3A_182, %parallel_loop3A_183] {strides = array<i32>} : memref<4x1024xf32, #tpu.memory_space<vmem>>, vector<1x16xf32>,
        %parallel_loop3A_185 = vector.shape_cast %parallel_loop3A_184 : vector<1x16xf32> to vector<16xf32>
        %parallel_loop3A_186 = arith.constant 0 : i32
        %parallel_loop3A_187 = arith.index_cast %scan3A_170 : i32 to index
        %parallel_loop3A_188 = arith.index_cast %parallel_loop3A_186 : i32 to index
        %parallel_loop3A_189 = arith.index_cast %parallel_loop3A_175 : i32 to index
        %parallel_loop3A_190 = tpu.vector_load %arg6[%parallel_loop3A_187, %parallel_loop3A_188, %parallel_loop3A_189] {strides = array<i32>} : memref<4x4x1024xf32, #tpu.memory_space<vmem>>, vector<1x1x16xf32>,
        %parallel_loop3A_191 = vector.shape_cast %parallel_loop3A_190 : vector<1x1x16xf32> to vector<16xf32>
        %parallel_loop3A_192 = arith.addf %parallel_loop3A_191, %parallel_loop3A_179 : vector<16xf32>
        %parallel_loop3A_193 = arith.constant 0 : i32
        %parallel_loop3A_194 = arith.index_cast %scan3A_170 : i32 to index
        %parallel_loop3A_195 = arith.index_cast %parallel_loop3A_193 : i32 to index
        %parallel_loop3A_196 = arith.index_cast %parallel_loop3A_175 : i32 to index
        %parallel_loop3A_197 = tpu.vector_load %arg6[%parallel_loop3A_194, %parallel_loop3A_195, %parallel_loop3A_196] {strides = array<i32>} : memref<4x4x1024xf32, #tpu.memory_space<vmem>>, vector<1x1x16xf32>,
        %parallel_loop3A_198 = vector.shape_cast %parallel_loop3A_197 : vector<1x1x16xf32> to vector<16xf32>
        %parallel_loop3A_199 = vector.shape_cast %parallel_loop3A_192 : vector<16xf32> to vector<1x1x16xf32>
        tpu.vector_store %arg6[%parallel_loop3A_194, %parallel_loop3A_195, %parallel_loop3A_196], %parallel_loop3A_199 {strides = array<i32>} : memref<4x4x1024xf32, #tpu.memory_space<vmem>>, vector<1x1x16xf32>,
        %parallel_loop3A_200 = arith.constant 16 : i32
        %parallel_loop3A_201 = arith.addi %parallel_loop3A_175, %parallel_loop3A_200 : i32
        %parallel_loop3A_202 = arith.constant 0 : i32
        %parallel_loop3A_203 = arith.index_cast %scan3A_170 : i32 to index
        %parallel_loop3A_204 = arith.index_cast %parallel_loop3A_202 : i32 to index
        %parallel_loop3A_205 = arith.index_cast %parallel_loop3A_201 : i32 to index
        %parallel_loop3A_206 = tpu.vector_load %arg6[%parallel_loop3A_203, %parallel_loop3A_204, %parallel_loop3A_205] {strides = array<i32>} : memref<4x4x1024xf32, #tpu.memory_space<vmem>>, vector<1x1x16xf32>,
        %parallel_loop3A_207 = vector.shape_cast %parallel_loop3A_206 : vector<1x1x16xf32> to vector<16xf32>
        %parallel_loop3A_208 = arith.addf %parallel_loop3A_207, %parallel_loop3A_185 : vector<16xf32>
        %parallel_loop3A_209 = arith.constant 16 : i32
        %parallel_loop3A_210 = arith.addi %parallel_loop3A_175, %parallel_loop3A_209 : i32
        %parallel_loop3A_211 = arith.constant 0 : i32
        %parallel_loop3A_212 = arith.index_cast %scan3A_170 : i32 to index
        %parallel_loop3A_213 = arith.index_cast %parallel_loop3A_211 : i32 to index
        %parallel_loop3A_214 = arith.index_cast %parallel_loop3A_210 : i32 to index
        %parallel_loop3A_215 = tpu.vector_load %arg6[%parallel_loop3A_212, %parallel_loop3A_213, %parallel_loop3A_214] {strides = array<i32>} : memref<4x4x1024xf32, #tpu.memory_space<vmem>>, vector<1x1x16xf32>,
        %parallel_loop3A_216 = vector.shape_cast %parallel_loop3A_215 : vector<1x1x16xf32> to vector<16xf32>
        %parallel_loop3A_217 = vector.shape_cast %parallel_loop3A_208 : vector<16xf32> to vector<1x1x16xf32>
        tpu.vector_store %arg6[%parallel_loop3A_212, %parallel_loop3A_213, %parallel_loop3A_214], %parallel_loop3A_217 {strides = array<i32>} : memref<4x4x1024xf32, #tpu.memory_space<vmem>>, vector<1x1x16xf32>,
        %parallel_loop3A_218 = arith.constant 1 : i32
        %parallel_loop3A_219 = arith.index_cast %scan3A_170 : i32 to index
        %parallel_loop3A_220 = arith.index_cast %parallel_loop3A_218 : i32 to index
        %parallel_loop3A_221 = arith.index_cast %parallel_loop3A_175 : i32 to index
        %parallel_loop3A_222 = tpu.vector_load %arg6[%parallel_loop3A_219, %parallel_loop3A_220, %parallel_loop3A_221] {strides = array<i32>} : memref<4x4x1024xf32, #tpu.memory_space<vmem>>, vector<1x1x16xf32>,
        %parallel_loop3A_223 = vector.shape_cast %parallel_loop3A_222 : vector<1x1x16xf32> to vector<16xf32>
        %parallel_loop3A_224 = arith.addf %parallel_loop3A_223, %parallel_loop3A_179 : vector<16xf32>
        %parallel_loop3A_225 = arith.constant 1 : i32
        %parallel_loop3A_226 = arith.index_cast %scan3A_170 : i32 to index
        %parallel_loop3A_227 = arith.index_cast %parallel_loop3A_225 : i32 to index
        %parallel_loop3A_228 = arith.index_cast %parallel_loop3A_175 : i32 to index
        %parallel_loop3A_229 = tpu.vector_load %arg6[%parallel_loop3A_226, %parallel_loop3A_227, %parallel_loop3A_228] {strides = array<i32>} : memref<4x4x1024xf32, #tpu.memory_space<vmem>>, vector<1x1x16xf32>,
        %parallel_loop3A_230 = vector.shape_cast %parallel_loop3A_229 : vector<1x1x16xf32> to vector<16xf32>
        %parallel_loop3A_231 = vector.shape_cast %parallel_loop3A_224 : vector<16xf32> to vector<1x1x16xf32>
        tpu.vector_store %arg6[%parallel_loop3A_226, %parallel_loop3A_227, %parallel_loop3A_228], %parallel_loop3A_231 {strides = array<i32>} : memref<4x4x1024xf32, #tpu.memory_space<vmem>>, vector<1x1x16xf32>,
        %parallel_loop3A_232 = arith.constant 16 : i32
        %parallel_loop3A_233 = arith.addi %parallel_loop3A_175, %parallel_loop3A_232 : i32
        %parallel_loop3A_234 = arith.constant 1 : i32
        %parallel_loop3A_235 = arith.index_cast %scan3A_170 : i32 to index
        %parallel_loop3A_236 = arith.index_cast %parallel_loop3A_234 : i32 to index
        %parallel_loop3A_237 = arith.index_cast %parallel_loop3A_233 : i32 to index
        %parallel_loop3A_238 = tpu.vector_load %arg6[%parallel_loop3A_235, %parallel_loop3A_236, %parallel_loop3A_237] {strides = array<i32>} : memref<4x4x1024xf32, #tpu.memory_space<vmem>>, vector<1x1x16xf32>,
        %parallel_loop3A_239 = vector.shape_cast %parallel_loop3A_238 : vector<1x1x16xf32> to vector<16xf32>
        %parallel_loop3A_240 = arith.addf %parallel_loop3A_239, %parallel_loop3A_185 : vector<16xf32>
        %parallel_loop3A_241 = arith.constant 16 : i32
        %parallel_loop3A_242 = arith.addi %parallel_loop3A_175, %parallel_loop3A_241 : i32
        %parallel_loop3A_243 = arith.constant 1 : i32
        %parallel_loop3A_244 = arith.index_cast %scan3A_170 : i32 to index
        %parallel_loop3A_245 = arith.index_cast %parallel_loop3A_243 : i32 to index
        %parallel_loop3A_246 = arith.index_cast %parallel_loop3A_242 : i32 to index
        %parallel_loop3A_247 = tpu.vector_load %arg6[%parallel_loop3A_244, %parallel_loop3A_245, %parallel_loop3A_246] {strides = array<i32>} : memref<4x4x1024xf32, #tpu.memory_space<vmem>>, vector<1x1x16xf32>,
        %parallel_loop3A_248 = vector.shape_cast %parallel_loop3A_247 : vector<1x1x16xf32> to vector<16xf32>
        %parallel_loop3A_249 = vector.shape_cast %parallel_loop3A_240 : vector<16xf32> to vector<1x1x16xf32>
        tpu.vector_store %arg6[%parallel_loop3A_244, %parallel_loop3A_245, %parallel_loop3A_246], %parallel_loop3A_249 {strides = array<i32>} : memref<4x4x1024xf32, #tpu.memory_space<vmem>>, vector<1x1x16xf32>,
        %parallel_loop3A_250 = arith.constant 2 : i32
        %parallel_loop3A_251 = arith.index_cast %scan3A_170 : i32 to index
        %parallel_loop3A_252 = arith.index_cast %parallel_loop3A_250 : i32 to index
        %parallel_loop3A_253 = arith.index_cast %parallel_loop3A_175 : i32 to index
        %parallel_loop3A_254 = tpu.vector_load %arg6[%parallel_loop3A_251, %parallel_loop3A_252, %parallel_loop3A_253] {strides = array<i32>} : memref<4x4x1024xf32, #tpu.memory_space<vmem>>, vector<1x1x16xf32>,
        %parallel_loop3A_255 = vector.shape_cast %parallel_loop3A_254 : vector<1x1x16xf32> to vector<16xf32>
        %parallel_loop3A_256 = arith.addf %parallel_loop3A_255, %parallel_loop3A_179 : vector<16xf32>
        %parallel_loop3A_257 = arith.constant 2 : i32
        %parallel_loop3A_258 = arith.index_cast %scan3A_170 : i32 to index
        %parallel_loop3A_259 = arith.index_cast %parallel_loop3A_257 : i32 to index
        %parallel_loop3A_260 = arith.index_cast %parallel_loop3A_175 : i32 to index
        %parallel_loop3A_261 = tpu.vector_load %arg6[%parallel_loop3A_258, %parallel_loop3A_259, %parallel_loop3A_260] {strides = array<i32>} : memref<4x4x1024xf32, #tpu.memory_space<vmem>>, vector<1x1x16xf32>,
        %parallel_loop3A_262 = vector.shape_cast %parallel_loop3A_261 : vector<1x1x16xf32> to vector<16xf32>
        %parallel_loop3A_263 = vector.shape_cast %parallel_loop3A_256 : vector<16xf32> to vector<1x1x16xf32>
        tpu.vector_store %arg6[%parallel_loop3A_258, %parallel_loop3A_259, %parallel_loop3A_260], %parallel_loop3A_263 {strides = array<i32>} : memref<4x4x1024xf32, #tpu.memory_space<vmem>>, vector<1x1x16xf32>,
        %parallel_loop3A_264 = arith.constant 16 : i32
        %parallel_loop3A_265 = arith.addi %parallel_loop3A_175, %parallel_loop3A_264 : i32
        %parallel_loop3A_266 = arith.constant 2 : i32
        %parallel_loop3A_267 = arith.index_cast %scan3A_170 : i32 to index
        %parallel_loop3A_268 = arith.index_cast %parallel_loop3A_266 : i32 to index
        %parallel_loop3A_269 = arith.index_cast %parallel_loop3A_265 : i32 to index
        %parallel_loop3A_270 = tpu.vector_load %arg6[%parallel_loop3A_267, %parallel_loop3A_268, %parallel_loop3A_269] {strides = array<i32>} : memref<4x4x1024xf32, #tpu.memory_space<vmem>>, vector<1x1x16xf32>,
        %parallel_loop3A_271 = vector.shape_cast %parallel_loop3A_270 : vector<1x1x16xf32> to vector<16xf32>
        %parallel_loop3A_272 = arith.addf %parallel_loop3A_271, %parallel_loop3A_185 : vector<16xf32>
        %parallel_loop3A_273 = arith.constant 16 : i32
        %parallel_loop3A_274 = arith.addi %parallel_loop3A_175, %parallel_loop3A_273 : i32
        %parallel_loop3A_275 = arith.constant 2 : i32
        %parallel_loop3A_276 = arith.index_cast %scan3A_170 : i32 to index
        %parallel_loop3A_277 = arith.index_cast %parallel_loop3A_275 : i32 to index
        %parallel_loop3A_278 = arith.index_cast %parallel_loop3A_274 : i32 to index
        %parallel_loop3A_279 = tpu.vector_load %arg6[%parallel_loop3A_276, %parallel_loop3A_277, %parallel_loop3A_278] {strides = array<i32>} : memref<4x4x1024xf32, #tpu.memory_space<vmem>>, vector<1x1x16xf32>,
        %parallel_loop3A_280 = vector.shape_cast %parallel_loop3A_279 : vector<1x1x16xf32> to vector<16xf32>
        %parallel_loop3A_281 = vector.shape_cast %parallel_loop3A_272 : vector<16xf32> to vector<1x1x16xf32>
        tpu.vector_store %arg6[%parallel_loop3A_276, %parallel_loop3A_277, %parallel_loop3A_278], %parallel_loop3A_281 {strides = array<i32>} : memref<4x4x1024xf32, #tpu.memory_space<vmem>>, vector<1x1x16xf32>,
        %parallel_loop3A_282 = arith.constant 3 : i32
        %parallel_loop3A_283 = arith.index_cast %scan3A_170 : i32 to index
        %parallel_loop3A_284 = arith.index_cast %parallel_loop3A_282 : i32 to index
        %parallel_loop3A_285 = arith.index_cast %parallel_loop3A_175 : i32 to index
        %parallel_loop3A_286 = tpu.vector_load %arg6[%parallel_loop3A_283, %parallel_loop3A_284, %parallel_loop3A_285] {strides = array<i32>} : memref<4x4x1024xf32, #tpu.memory_space<vmem>>, vector<1x1x16xf32>,
        %parallel_loop3A_287 = vector.shape_cast %parallel_loop3A_286 : vector<1x1x16xf32> to vector<16xf32>
        %parallel_loop3A_288 = arith.addf %parallel_loop3A_287, %parallel_loop3A_179 : vector<16xf32>
        %parallel_loop3A_289 = arith.constant 3 : i32
        %parallel_loop3A_290 = arith.index_cast %scan3A_170 : i32 to index
        %parallel_loop3A_291 = arith.index_cast %parallel_loop3A_289 : i32 to index
        %parallel_loop3A_292 = arith.index_cast %parallel_loop3A_175 : i32 to index
        %parallel_loop3A_293 = tpu.vector_load %arg6[%parallel_loop3A_290, %parallel_loop3A_291, %parallel_loop3A_292] {strides = array<i32>} : memref<4x4x1024xf32, #tpu.memory_space<vmem>>, vector<1x1x16xf32>,
        %parallel_loop3A_294 = vector.shape_cast %parallel_loop3A_293 : vector<1x1x16xf32> to vector<16xf32>
        %parallel_loop3A_295 = vector.shape_cast %parallel_loop3A_288 : vector<16xf32> to vector<1x1x16xf32>
        tpu.vector_store %arg6[%parallel_loop3A_290, %parallel_loop3A_291, %parallel_loop3A_292], %parallel_loop3A_295 {strides = array<i32>} : memref<4x4x1024xf32, #tpu.memory_space<vmem>>, vector<1x1x16xf32>,
        %parallel_loop3A_296 = arith.constant 16 : i32
        %parallel_loop3A_297 = arith.addi %parallel_loop3A_175, %parallel_loop3A_296 : i32
        %parallel_loop3A_298 = arith.constant 3 : i32
        %parallel_loop3A_299 = arith.index_cast %scan3A_170 : i32 to index
        %parallel_loop3A_300 = arith.index_cast %parallel_loop3A_298 : i32 to index
        %parallel_loop3A_301 = arith.index_cast %parallel_loop3A_297 : i32 to index
        %parallel_loop3A_302 = tpu.vector_load %arg6[%parallel_loop3A_299, %parallel_loop3A_300, %parallel_loop3A_301] {strides = array<i32>} : memref<4x4x1024xf32, #tpu.memory_space<vmem>>, vector<1x1x16xf32>,
        %parallel_loop3A_303 = vector.shape_cast %parallel_loop3A_302 : vector<1x1x16xf32> to vector<16xf32>
        %parallel_loop3A_304 = arith.addf %parallel_loop3A_303, %parallel_loop3A_185 : vector<16xf32>
        %parallel_loop3A_305 = arith.constant 16 : i32
        %parallel_loop3A_306 = arith.addi %parallel_loop3A_175, %parallel_loop3A_305 : i32
        %parallel_loop3A_307 = arith.constant 3 : i32
        %parallel_loop3A_308 = arith.index_cast %scan3A_170 : i32 to index
        %parallel_loop3A_309 = arith.index_cast %parallel_loop3A_307 : i32 to index
        %parallel_loop3A_310 = arith.index_cast %parallel_loop3A_306 : i32 to index
        %parallel_loop3A_311 = tpu.vector_load %arg6[%parallel_loop3A_308, %parallel_loop3A_309, %parallel_loop3A_310] {strides = array<i32>} : memref<4x4x1024xf32, #tpu.memory_space<vmem>>, vector<1x1x16xf32>,
        %parallel_loop3A_312 = vector.shape_cast %parallel_loop3A_311 : vector<1x1x16xf32> to vector<16xf32>
        %parallel_loop3A_313 = vector.shape_cast %parallel_loop3A_304 : vector<16xf32> to vector<1x1x16xf32>
        tpu.vector_store %arg6[%parallel_loop3A_308, %parallel_loop3A_309, %parallel_loop3A_310], %parallel_loop3A_313 {strides = array<i32>} : memref<4x4x1024xf32, #tpu.memory_space<vmem>>, vector<1x1x16xf32>,
      } {sc.loop_unroll_factor = 4 : i64, sc.parallel_access}
    }
    %scan3A_89 = arith.constant 4 : i32
    %add3A_90 = arith.constant 4 : i32
    %add3A_91 = arith.addi %add3A_4, %add3A_90 : i32
    %dma_start3A_92 = arith.constant 0 : i32
    %dma_start3A_93 = arith.constant 0 : i32
    %dma_start3A_94 = tpu.memref_slice %arg4[%add3A_91, %dma_start3A_92, %dma_start3A_93] : memref<2048x4x1024xf32, #tpu.memory_space<hbm>> -> memref<4x4x1024xf32, #tpu.memory_space<hbm>>
    %dma_start3A_95 = arith.constant 0 : i32
    %dma_start3A_96 = arith.constant 0 : i32
    %dma_start3A_97 = tpu.memref_slice %arg4[%add3A_91, %dma_start3A_95, %dma_start3A_96] : memref<2048x4x1024xf32, #tpu.memory_space<hbm>> -> memref<4x4x1024xf32, #tpu.memory_space<hbm>>
    tpu.enqueue_dma source(%arg6 : memref<4x4x1024xf32, #tpu.memory_space<vmem>>) target(%dma_start3A_97 : memref<4x4x1024xf32, #tpu.memory_space<hbm>>) target_semaphore(%arg30 : memref<!tpu.dma_semaphore, #tpu.memory_space<semaphore_mem>>)
    %dma_wait3A_98 = arith.constant 0 : i32
    %dma_wait3A_99 = arith.constant 0 : i32
    %dma_wait3A_100 = tpu.memref_slice %arg2[%add3A_29, %dma_wait3A_98, %dma_wait3A_99] : memref<2048x4x1024xf32, #tpu.memory_space<hbm>> -> memref<4x4x1024xf32, #tpu.memory_space<hbm>>
    %dma_wait3A_101 = arith.constant 0 : i32
    %dma_wait3A_102 = arith.constant 0 : i32
    %dma_wait3A_103 = tpu.memref_slice %arg2[%add3A_29, %dma_wait3A_101, %dma_wait3A_102] : memref<2048x4x1024xf32, #tpu.memory_space<hbm>> -> memref<4x4x1024xf32, #tpu.memory_space<hbm>>
    tpu.wait_dma2 semaphore(%arg19 : memref<!tpu.dma_semaphore, #tpu.memory_space<semaphore_mem>>) src(%dma_wait3A_103 : memref<4x4x1024xf32, #tpu.memory_space<hbm>>) dst(%arg7 : memref<4x4x1024xf32, #tpu.memory_space<vmem>>)
    %dma_wait3A_104 = arith.constant 0 : i32
    %dma_wait3A_105 = tpu.memref_slice %arg3[%add3A_29, %dma_wait3A_104] : memref<2048x1024xf32, #tpu.memory_space<hbm>> -> memref<4x1024xf32, #tpu.memory_space<hbm>>
    %dma_wait3A_106 = arith.constant 0 : i32
    %dma_wait3A_107 = tpu.memref_slice %arg3[%add3A_29, %dma_wait3A_106] : memref<2048x1024xf32, #tpu.memory_space<hbm>> -> memref<4x1024xf32, #tpu.memory_space<hbm>>
    tpu.wait_dma2 semaphore(%arg25 : memref<!tpu.dma_semaphore, #tpu.memory_space<semaphore_mem>>) src(%dma_wait3A_107 : memref<4x1024xf32, #tpu.memory_space<hbm>>) dst(%arg13 : memref<4x1024xf32, #tpu.memory_space<vmem>>)
    %scan3A_108 = arith.constant 0 : i32
    %scan3A_109 = arith.constant 0 : i32
    %scan3A_110 = arith.constant 4 : i32
    %scan3A_111 = arith.addi %scan3A_109, %scan3A_110 : i32
    %scan3A_112 = arith.constant 1 : i32
    scf.for %scan3A_170 = %scan3A_109 to %scan3A_111 step %scan3A_112  : i32 {
      %parallel_loop3A = arith.constant 0 : i32
      %parallel_loop3A_171 = arith.constant 32 : i32
      %parallel_loop3A_172 = arith.constant 1 : i32
      scf.for %parallel_loop3A_173 = %parallel_loop3A to %parallel_loop3A_171 step %parallel_loop3A_172  : i32 {
        %parallel_loop3A_174 = arith.constant 32 : i32
        %parallel_loop3A_175 = arith.muli %parallel_loop3A_173, %parallel_loop3A_174 : i32
        %parallel_loop3A_176 = arith.index_cast %scan3A_170 : i32 to index
        %parallel_loop3A_177 = arith.index_cast %parallel_loop3A_175 : i32 to index
        %parallel_loop3A_178 = tpu.vector_load %arg13[%parallel_loop3A_176, %parallel_loop3A_177] {strides = array<i32>} : memref<4x1024xf32, #tpu.memory_space<vmem>>, vector<1x16xf32>,
        %parallel_loop3A_179 = vector.shape_cast %parallel_loop3A_178 : vector<1x16xf32> to vector<16xf32>
        %parallel_loop3A_180 = arith.constant 16 : i32
        %parallel_loop3A_181 = arith.addi %parallel_loop3A_175, %parallel_loop3A_180 : i32
        %parallel_loop3A_182 = arith.index_cast %scan3A_170 : i32 to index
        %parallel_loop3A_183 = arith.index_cast %parallel_loop3A_181 : i32 to index
        %parallel_loop3A_184 = tpu.vector_load %arg13[%parallel_loop3A_182, %parallel_loop3A_183] {strides = array<i32>} : memref<4x1024xf32, #tpu.memory_space<vmem>>, vector<1x16xf32>,
        %parallel_loop3A_185 = vector.shape_cast %parallel_loop3A_184 : vector<1x16xf32> to vector<16xf32>
        %parallel_loop3A_186 = arith.constant 0 : i32
        %parallel_loop3A_187 = arith.index_cast %scan3A_170 : i32 to index
        %parallel_loop3A_188 = arith.index_cast %parallel_loop3A_186 : i32 to index
        %parallel_loop3A_189 = arith.index_cast %parallel_loop3A_175 : i32 to index
        %parallel_loop3A_190 = tpu.vector_load %arg7[%parallel_loop3A_187, %parallel_loop3A_188, %parallel_loop3A_189] {strides = array<i32>} : memref<4x4x1024xf32, #tpu.memory_space<vmem>>, vector<1x1x16xf32>,
        %parallel_loop3A_191 = vector.shape_cast %parallel_loop3A_190 : vector<1x1x16xf32> to vector<16xf32>
        %parallel_loop3A_192 = arith.addf %parallel_loop3A_191, %parallel_loop3A_179 : vector<16xf32>
        %parallel_loop3A_193 = arith.constant 0 : i32
        %parallel_loop3A_194 = arith.index_cast %scan3A_170 : i32 to index
        %parallel_loop3A_195 = arith.index_cast %parallel_loop3A_193 : i32 to index
        %parallel_loop3A_196 = arith.index_cast %parallel_loop3A_175 : i32 to index
        %parallel_loop3A_197 = tpu.vector_load %arg7[%parallel_loop3A_194, %parallel_loop3A_195, %parallel_loop3A_196] {strides = array<i32>} : memref<4x4x1024xf32, #tpu.memory_space<vmem>>, vector<1x1x16xf32>,
        %parallel_loop3A_198 = vector.shape_cast %parallel_loop3A_197 : vector<1x1x16xf32> to vector<16xf32>
        %parallel_loop3A_199 = vector.shape_cast %parallel_loop3A_192 : vector<16xf32> to vector<1x1x16xf32>
        tpu.vector_store %arg7[%parallel_loop3A_194, %parallel_loop3A_195, %parallel_loop3A_196], %parallel_loop3A_199 {strides = array<i32>} : memref<4x4x1024xf32, #tpu.memory_space<vmem>>, vector<1x1x16xf32>,
        %parallel_loop3A_200 = arith.constant 16 : i32
        %parallel_loop3A_201 = arith.addi %parallel_loop3A_175, %parallel_loop3A_200 : i32
        %parallel_loop3A_202 = arith.constant 0 : i32
        %parallel_loop3A_203 = arith.index_cast %scan3A_170 : i32 to index
        %parallel_loop3A_204 = arith.index_cast %parallel_loop3A_202 : i32 to index
        %parallel_loop3A_205 = arith.index_cast %parallel_loop3A_201 : i32 to index
        %parallel_loop3A_206 = tpu.vector_load %arg7[%parallel_loop3A_203, %parallel_loop3A_204, %parallel_loop3A_205] {strides = array<i32>} : memref<4x4x1024xf32, #tpu.memory_space<vmem>>, vector<1x1x16xf32>,
        %parallel_loop3A_207 = vector.shape_cast %parallel_loop3A_206 : vector<1x1x16xf32> to vector<16xf32>
        %parallel_loop3A_208 = arith.addf %parallel_loop3A_207, %parallel_loop3A_185 : vector<16xf32>
        %parallel_loop3A_209 = arith.constant 16 : i32
        %parallel_loop3A_210 = arith.addi %parallel_loop3A_175, %parallel_loop3A_209 : i32
        %parallel_loop3A_211 = arith.constant 0 : i32
        %parallel_loop3A_212 = arith.index_cast %scan3A_170 : i32 to index
        %parallel_loop3A_213 = arith.index_cast %parallel_loop3A_211 : i32 to index
        %parallel_loop3A_214 = arith.index_cast %parallel_loop3A_210 : i32 to index
        %parallel_loop3A_215 = tpu.vector_load %arg7[%parallel_loop3A_212, %parallel_loop3A_213, %parallel_loop3A_214] {strides = array<i32>} : memref<4x4x1024xf32, #tpu.memory_space<vmem>>, vector<1x1x16xf32>,
        %parallel_loop3A_216 = vector.shape_cast %parallel_loop3A_215 : vector<1x1x16xf32> to vector<16xf32>
        %parallel_loop3A_217 = vector.shape_cast %parallel_loop3A_208 : vector<16xf32> to vector<1x1x16xf32>
        tpu.vector_store %arg7[%parallel_loop3A_212, %parallel_loop3A_213, %parallel_loop3A_214], %parallel_loop3A_217 {strides = array<i32>} : memref<4x4x1024xf32, #tpu.memory_space<vmem>>, vector<1x1x16xf32>,
        %parallel_loop3A_218 = arith.constant 1 : i32
        %parallel_loop3A_219 = arith.index_cast %scan3A_170 : i32 to index
        %parallel_loop3A_220 = arith.index_cast %parallel_loop3A_218 : i32 to index
        %parallel_loop3A_221 = arith.index_cast %parallel_loop3A_175 : i32 to index
        %parallel_loop3A_222 = tpu.vector_load %arg7[%parallel_loop3A_219, %parallel_loop3A_220, %parallel_loop3A_221] {strides = array<i32>} : memref<4x4x1024xf32, #tpu.memory_space<vmem>>, vector<1x1x16xf32>,
        %parallel_loop3A_223 = vector.shape_cast %parallel_loop3A_222 : vector<1x1x16xf32> to vector<16xf32>
        %parallel_loop3A_224 = arith.addf %parallel_loop3A_223, %parallel_loop3A_179 : vector<16xf32>
        %parallel_loop3A_225 = arith.constant 1 : i32
        %parallel_loop3A_226 = arith.index_cast %scan3A_170 : i32 to index
        %parallel_loop3A_227 = arith.index_cast %parallel_loop3A_225 : i32 to index
        %parallel_loop3A_228 = arith.index_cast %parallel_loop3A_175 : i32 to index
        %parallel_loop3A_229 = tpu.vector_load %arg7[%parallel_loop3A_226, %parallel_loop3A_227, %parallel_loop3A_228] {strides = array<i32>} : memref<4x4x1024xf32, #tpu.memory_space<vmem>>, vector<1x1x16xf32>,
        %parallel_loop3A_230 = vector.shape_cast %parallel_loop3A_229 : vector<1x1x16xf32> to vector<16xf32>
        %parallel_loop3A_231 = vector.shape_cast %parallel_loop3A_224 : vector<16xf32> to vector<1x1x16xf32>
        tpu.vector_store %arg7[%parallel_loop3A_226, %parallel_loop3A_227, %parallel_loop3A_228], %parallel_loop3A_231 {strides = array<i32>} : memref<4x4x1024xf32, #tpu.memory_space<vmem>>, vector<1x1x16xf32>,
        %parallel_loop3A_232 = arith.constant 16 : i32
        %parallel_loop3A_233 = arith.addi %parallel_loop3A_175, %parallel_loop3A_232 : i32
        %parallel_loop3A_234 = arith.constant 1 : i32
        %parallel_loop3A_235 = arith.index_cast %scan3A_170 : i32 to index
        %parallel_loop3A_236 = arith.index_cast %parallel_loop3A_234 : i32 to index
        %parallel_loop3A_237 = arith.index_cast %parallel_loop3A_233 : i32 to index
        %parallel_loop3A_238 = tpu.vector_load %arg7[%parallel_loop3A_235, %parallel_loop3A_236, %parallel_loop3A_237] {strides = array<i32>} : memref<4x4x1024xf32, #tpu.memory_space<vmem>>, vector<1x1x16xf32>,
        %parallel_loop3A_239 = vector.shape_cast %parallel_loop3A_238 : vector<1x1x16xf32> to vector<16xf32>
        %parallel_loop3A_240 = arith.addf %parallel_loop3A_239, %parallel_loop3A_185 : vector<16xf32>
        %parallel_loop3A_241 = arith.constant 16 : i32
        %parallel_loop3A_242 = arith.addi %parallel_loop3A_175, %parallel_loop3A_241 : i32
        %parallel_loop3A_243 = arith.constant 1 : i32
        %parallel_loop3A_244 = arith.index_cast %scan3A_170 : i32 to index
        %parallel_loop3A_245 = arith.index_cast %parallel_loop3A_243 : i32 to index
        %parallel_loop3A_246 = arith.index_cast %parallel_loop3A_242 : i32 to index
        %parallel_loop3A_247 = tpu.vector_load %arg7[%parallel_loop3A_244, %parallel_loop3A_245, %parallel_loop3A_246] {strides = array<i32>} : memref<4x4x1024xf32, #tpu.memory_space<vmem>>, vector<1x1x16xf32>,
        %parallel_loop3A_248 = vector.shape_cast %parallel_loop3A_247 : vector<1x1x16xf32> to vector<16xf32>
        %parallel_loop3A_249 = vector.shape_cast %parallel_loop3A_240 : vector<16xf32> to vector<1x1x16xf32>
        tpu.vector_store %arg7[%parallel_loop3A_244, %parallel_loop3A_245, %parallel_loop3A_246], %parallel_loop3A_249 {strides = array<i32>} : memref<4x4x1024xf32, #tpu.memory_space<vmem>>, vector<1x1x16xf32>,
        %parallel_loop3A_250 = arith.constant 2 : i32
        %parallel_loop3A_251 = arith.index_cast %scan3A_170 : i32 to index
        %parallel_loop3A_252 = arith.index_cast %parallel_loop3A_250 : i32 to index
        %parallel_loop3A_253 = arith.index_cast %parallel_loop3A_175 : i32 to index
        %parallel_loop3A_254 = tpu.vector_load %arg7[%parallel_loop3A_251, %parallel_loop3A_252, %parallel_loop3A_253] {strides = array<i32>} : memref<4x4x1024xf32, #tpu.memory_space<vmem>>, vector<1x1x16xf32>,
        %parallel_loop3A_255 = vector.shape_cast %parallel_loop3A_254 : vector<1x1x16xf32> to vector<16xf32>
        %parallel_loop3A_256 = arith.addf %parallel_loop3A_255, %parallel_loop3A_179 : vector<16xf32>
        %parallel_loop3A_257 = arith.constant 2 : i32
        %parallel_loop3A_258 = arith.index_cast %scan3A_170 : i32 to index
        %parallel_loop3A_259 = arith.index_cast %parallel_loop3A_257 : i32 to index
        %parallel_loop3A_260 = arith.index_cast %parallel_loop3A_175 : i32 to index
        %parallel_loop3A_261 = tpu.vector_load %arg7[%parallel_loop3A_258, %parallel_loop3A_259, %parallel_loop3A_260] {strides = array<i32>} : memref<4x4x1024xf32, #tpu.memory_space<vmem>>, vector<1x1x16xf32>,
        %parallel_loop3A_262 = vector.shape_cast %parallel_loop3A_261 : vector<1x1x16xf32> to vector<16xf32>
        %parallel_loop3A_263 = vector.shape_cast %parallel_loop3A_256 : vector<16xf32> to vector<1x1x16xf32>
        tpu.vector_store %arg7[%parallel_loop3A_258, %parallel_loop3A_259, %parallel_loop3A_260], %parallel_loop3A_263 {strides = array<i32>} : memref<4x4x1024xf32, #tpu.memory_space<vmem>>, vector<1x1x16xf32>,
        %parallel_loop3A_264 = arith.constant 16 : i32
        %parallel_loop3A_265 = arith.addi %parallel_loop3A_175, %parallel_loop3A_264 : i32
        %parallel_loop3A_266 = arith.constant 2 : i32
        %parallel_loop3A_267 = arith.index_cast %scan3A_170 : i32 to index
        %parallel_loop3A_268 = arith.index_cast %parallel_loop3A_266 : i32 to index
        %parallel_loop3A_269 = arith.index_cast %parallel_loop3A_265 : i32 to index
        %parallel_loop3A_270 = tpu.vector_load %arg7[%parallel_loop3A_267, %parallel_loop3A_268, %parallel_loop3A_269] {strides = array<i32>} : memref<4x4x1024xf32, #tpu.memory_space<vmem>>, vector<1x1x16xf32>,
        %parallel_loop3A_271 = vector.shape_cast %parallel_loop3A_270 : vector<1x1x16xf32> to vector<16xf32>
        %parallel_loop3A_272 = arith.addf %parallel_loop3A_271, %parallel_loop3A_185 : vector<16xf32>
        %parallel_loop3A_273 = arith.constant 16 : i32
        %parallel_loop3A_274 = arith.addi %parallel_loop3A_175, %parallel_loop3A_273 : i32
        %parallel_loop3A_275 = arith.constant 2 : i32
        %parallel_loop3A_276 = arith.index_cast %scan3A_170 : i32 to index
        %parallel_loop3A_277 = arith.index_cast %parallel_loop3A_275 : i32 to index
        %parallel_loop3A_278 = arith.index_cast %parallel_loop3A_274 : i32 to index
        %parallel_loop3A_279 = tpu.vector_load %arg7[%parallel_loop3A_276, %parallel_loop3A_277, %parallel_loop3A_278] {strides = array<i32>} : memref<4x4x1024xf32, #tpu.memory_space<vmem>>, vector<1x1x16xf32>,
        %parallel_loop3A_280 = vector.shape_cast %parallel_loop3A_279 : vector<1x1x16xf32> to vector<16xf32>
        %parallel_loop3A_281 = vector.shape_cast %parallel_loop3A_272 : vector<16xf32> to vector<1x1x16xf32>
        tpu.vector_store %arg7[%parallel_loop3A_276, %parallel_loop3A_277, %parallel_loop3A_278], %parallel_loop3A_281 {strides = array<i32>} : memref<4x4x1024xf32, #tpu.memory_space<vmem>>, vector<1x1x16xf32>,
        %parallel_loop3A_282 = arith.constant 3 : i32
        %parallel_loop3A_283 = arith.index_cast %scan3A_170 : i32 to index
        %parallel_loop3A_284 = arith.index_cast %parallel_loop3A_282 : i32 to index
        %parallel_loop3A_285 = arith.index_cast %parallel_loop3A_175 : i32 to index
        %parallel_loop3A_286 = tpu.vector_load %arg7[%parallel_loop3A_283, %parallel_loop3A_284, %parallel_loop3A_285] {strides = array<i32>} : memref<4x4x1024xf32, #tpu.memory_space<vmem>>, vector<1x1x16xf32>,
        %parallel_loop3A_287 = vector.shape_cast %parallel_loop3A_286 : vector<1x1x16xf32> to vector<16xf32>
        %parallel_loop3A_288 = arith.addf %parallel_loop3A_287, %parallel_loop3A_179 : vector<16xf32>
        %parallel_loop3A_289 = arith.constant 3 : i32
        %parallel_loop3A_290 = arith.index_cast %scan3A_170 : i32 to index
        %parallel_loop3A_291 = arith.index_cast %parallel_loop3A_289 : i32 to index
        %parallel_loop3A_292 = arith.index_cast %parallel_loop3A_175 : i32 to index
        %parallel_loop3A_293 = tpu.vector_load %arg7[%parallel_loop3A_290, %parallel_loop3A_291, %parallel_loop3A_292] {strides = array<i32>} : memref<4x4x1024xf32, #tpu.memory_space<vmem>>, vector<1x1x16xf32>,
        %parallel_loop3A_294 = vector.shape_cast %parallel_loop3A_293 : vector<1x1x16xf32> to vector<16xf32>
        %parallel_loop3A_295 = vector.shape_cast %parallel_loop3A_288 : vector<16xf32> to vector<1x1x16xf32>
        tpu.vector_store %arg7[%parallel_loop3A_290, %parallel_loop3A_291, %parallel_loop3A_292], %parallel_loop3A_295 {strides = array<i32>} : memref<4x4x1024xf32, #tpu.memory_space<vmem>>, vector<1x1x16xf32>,
        %parallel_loop3A_296 = arith.constant 16 : i32
        %parallel_loop3A_297 = arith.addi %parallel_loop3A_175, %parallel_loop3A_296 : i32
        %parallel_loop3A_298 = arith.constant 3 : i32
        %parallel_loop3A_299 = arith.index_cast %scan3A_170 : i32 to index
        %parallel_loop3A_300 = arith.index_cast %parallel_loop3A_298 : i32 to index
        %parallel_loop3A_301 = arith.index_cast %parallel_loop3A_297 : i32 to index
        %parallel_loop3A_302 = tpu.vector_load %arg7[%parallel_loop3A_299, %parallel_loop3A_300, %parallel_loop3A_301] {strides = array<i32>} : memref<4x4x1024xf32, #tpu.memory_space<vmem>>, vector<1x1x16xf32>,
        %parallel_loop3A_303 = vector.shape_cast %parallel_loop3A_302 : vector<1x1x16xf32> to vector<16xf32>
        %parallel_loop3A_304 = arith.addf %parallel_loop3A_303, %parallel_loop3A_185 : vector<16xf32>
        %parallel_loop3A_305 = arith.constant 16 : i32
        %parallel_loop3A_306 = arith.addi %parallel_loop3A_175, %parallel_loop3A_305 : i32
        %parallel_loop3A_307 = arith.constant 3 : i32
        %parallel_loop3A_308 = arith.index_cast %scan3A_170 : i32 to index
        %parallel_loop3A_309 = arith.index_cast %parallel_loop3A_307 : i32 to index
        %parallel_loop3A_310 = arith.index_cast %parallel_loop3A_306 : i32 to index
        %parallel_loop3A_311 = tpu.vector_load %arg7[%parallel_loop3A_308, %parallel_loop3A_309, %parallel_loop3A_310] {strides = array<i32>} : memref<4x4x1024xf32, #tpu.memory_space<vmem>>, vector<1x1x16xf32>,
        %parallel_loop3A_312 = vector.shape_cast %parallel_loop3A_311 : vector<1x1x16xf32> to vector<16xf32>
        %parallel_loop3A_313 = vector.shape_cast %parallel_loop3A_304 : vector<16xf32> to vector<1x1x16xf32>
        tpu.vector_store %arg7[%parallel_loop3A_308, %parallel_loop3A_309, %parallel_loop3A_310], %parallel_loop3A_313 {strides = array<i32>} : memref<4x4x1024xf32, #tpu.memory_space<vmem>>, vector<1x1x16xf32>,
      } {sc.loop_unroll_factor = 4 : i64, sc.parallel_access}
    }
    %scan3A_113 = arith.constant 4 : i32
    %add3A_114 = arith.constant 8 : i32
    %add3A_115 = arith.addi %add3A_4, %add3A_114 : i32
    %dma_start3A_116 = arith.constant 0 : i32
    %dma_start3A_117 = arith.constant 0 : i32
    %dma_start3A_118 = tpu.memref_slice %arg4[%add3A_115, %dma_start3A_116, %dma_start3A_117] : memref<2048x4x1024xf32, #tpu.memory_space<hbm>> -> memref<4x4x1024xf32, #tpu.memory_space<hbm>>
    %dma_start3A_119 = arith.constant 0 : i32
    %dma_start3A_120 = arith.constant 0 : i32
    %dma_start3A_121 = tpu.memref_slice %arg4[%add3A_115, %dma_start3A_119, %dma_start3A_120] : memref<2048x4x1024xf32, #tpu.memory_space<hbm>> -> memref<4x4x1024xf32, #tpu.memory_space<hbm>>
    tpu.enqueue_dma source(%arg7 : memref<4x4x1024xf32, #tpu.memory_space<vmem>>) target(%dma_start3A_121 : memref<4x4x1024xf32, #tpu.memory_space<hbm>>) target_semaphore(%arg31 : memref<!tpu.dma_semaphore, #tpu.memory_space<semaphore_mem>>)
    %dma_wait3A_122 = arith.constant 0 : i32
    %dma_wait3A_123 = arith.constant 0 : i32
    %dma_wait3A_124 = tpu.memref_slice %arg2[%add3A_41, %dma_wait3A_122, %dma_wait3A_123] : memref<2048x4x1024xf32, #tpu.memory_space<hbm>> -> memref<4x4x1024xf32, #tpu.memory_space<hbm>>
    %dma_wait3A_125 = arith.constant 0 : i32
    %dma_wait3A_126 = arith.constant 0 : i32
    %dma_wait3A_127 = tpu.memref_slice %arg2[%add3A_41, %dma_wait3A_125, %dma_wait3A_126] : memref<2048x4x1024xf32, #tpu.memory_space<hbm>> -> memref<4x4x1024xf32, #tpu.memory_space<hbm>>
    tpu.wait_dma2 semaphore(%arg20 : memref<!tpu.dma_semaphore, #tpu.memory_space<semaphore_mem>>) src(%dma_wait3A_127 : memref<4x4x1024xf32, #tpu.memory_space<hbm>>) dst(%arg8 : memref<4x4x1024xf32, #tpu.memory_space<vmem>>)
    %dma_wait3A_128 = arith.constant 0 : i32
    %dma_wait3A_129 = tpu.memref_slice %arg3[%add3A_41, %dma_wait3A_128] : memref<2048x1024xf32, #tpu.memory_space<hbm>> -> memref<4x1024xf32, #tpu.memory_space<hbm>>
    %dma_wait3A_130 = arith.constant 0 : i32
    %dma_wait3A_131 = tpu.memref_slice %arg3[%add3A_41, %dma_wait3A_130] : memref<2048x1024xf32, #tpu.memory_space<hbm>> -> memref<4x1024xf32, #tpu.memory_space<hbm>>
    tpu.wait_dma2 semaphore(%arg26 : memref<!tpu.dma_semaphore, #tpu.memory_space<semaphore_mem>>) src(%dma_wait3A_131 : memref<4x1024xf32, #tpu.memory_space<hbm>>) dst(%arg14 : memref<4x1024xf32, #tpu.memory_space<vmem>>)
    %scan3A_132 = arith.constant 0 : i32
    %scan3A_133 = arith.constant 0 : i32
    %scan3A_134 = arith.constant 4 : i32
    %scan3A_135 = arith.addi %scan3A_133, %scan3A_134 : i32
    %scan3A_136 = arith.constant 1 : i32
    scf.for %scan3A_170 = %scan3A_133 to %scan3A_135 step %scan3A_136  : i32 {
      %parallel_loop3A = arith.constant 0 : i32
      %parallel_loop3A_171 = arith.constant 32 : i32
      %parallel_loop3A_172 = arith.constant 1 : i32
      scf.for %parallel_loop3A_173 = %parallel_loop3A to %parallel_loop3A_171 step %parallel_loop3A_172  : i32 {
        %parallel_loop3A_174 = arith.constant 32 : i32
        %parallel_loop3A_175 = arith.muli %parallel_loop3A_173, %parallel_loop3A_174 : i32
        %parallel_loop3A_176 = arith.index_cast %scan3A_170 : i32 to index
        %parallel_loop3A_177 = arith.index_cast %parallel_loop3A_175 : i32 to index
        %parallel_loop3A_178 = tpu.vector_load %arg14[%parallel_loop3A_176, %parallel_loop3A_177] {strides = array<i32>} : memref<4x1024xf32, #tpu.memory_space<vmem>>, vector<1x16xf32>,
        %parallel_loop3A_179 = vector.shape_cast %parallel_loop3A_178 : vector<1x16xf32> to vector<16xf32>
        %parallel_loop3A_180 = arith.constant 16 : i32
        %parallel_loop3A_181 = arith.addi %parallel_loop3A_175, %parallel_loop3A_180 : i32
        %parallel_loop3A_182 = arith.index_cast %scan3A_170 : i32 to index
        %parallel_loop3A_183 = arith.index_cast %parallel_loop3A_181 : i32 to index
        %parallel_loop3A_184 = tpu.vector_load %arg14[%parallel_loop3A_182, %parallel_loop3A_183] {strides = array<i32>} : memref<4x1024xf32, #tpu.memory_space<vmem>>, vector<1x16xf32>,
        %parallel_loop3A_185 = vector.shape_cast %parallel_loop3A_184 : vector<1x16xf32> to vector<16xf32>
        %parallel_loop3A_186 = arith.constant 0 : i32
        %parallel_loop3A_187 = arith.index_cast %scan3A_170 : i32 to index
        %parallel_loop3A_188 = arith.index_cast %parallel_loop3A_186 : i32 to index
        %parallel_loop3A_189 = arith.index_cast %parallel_loop3A_175 : i32 to index
        %parallel_loop3A_190 = tpu.vector_load %arg8[%parallel_loop3A_187, %parallel_loop3A_188, %parallel_loop3A_189] {strides = array<i32>} : memref<4x4x1024xf32, #tpu.memory_space<vmem>>, vector<1x1x16xf32>,
        %parallel_loop3A_191 = vector.shape_cast %parallel_loop3A_190 : vector<1x1x16xf32> to vector<16xf32>
        %parallel_loop3A_192 = arith.addf %parallel_loop3A_191, %parallel_loop3A_179 : vector<16xf32>
        %parallel_loop3A_193 = arith.constant 0 : i32
        %parallel_loop3A_194 = arith.index_cast %scan3A_170 : i32 to index
        %parallel_loop3A_195 = arith.index_cast %parallel_loop3A_193 : i32 to index
        %parallel_loop3A_196 = arith.index_cast %parallel_loop3A_175 : i32 to index
        %parallel_loop3A_197 = tpu.vector_load %arg8[%parallel_loop3A_194, %parallel_loop3A_195, %parallel_loop3A_196] {strides = array<i32>} : memref<4x4x1024xf32, #tpu.memory_space<vmem>>, vector<1x1x16xf32>,
        %parallel_loop3A_198 = vector.shape_cast %parallel_loop3A_197 : vector<1x1x16xf32> to vector<16xf32>
        %parallel_loop3A_199 = vector.shape_cast %parallel_loop3A_192 : vector<16xf32> to vector<1x1x16xf32>
        tpu.vector_store %arg8[%parallel_loop3A_194, %parallel_loop3A_195, %parallel_loop3A_196], %parallel_loop3A_199 {strides = array<i32>} : memref<4x4x1024xf32, #tpu.memory_space<vmem>>, vector<1x1x16xf32>,
        %parallel_loop3A_200 = arith.constant 16 : i32
        %parallel_loop3A_201 = arith.addi %parallel_loop3A_175, %parallel_loop3A_200 : i32
        %parallel_loop3A_202 = arith.constant 0 : i32
        %parallel_loop3A_203 = arith.index_cast %scan3A_170 : i32 to index
        %parallel_loop3A_204 = arith.index_cast %parallel_loop3A_202 : i32 to index
        %parallel_loop3A_205 = arith.index_cast %parallel_loop3A_201 : i32 to index
        %parallel_loop3A_206 = tpu.vector_load %arg8[%parallel_loop3A_203, %parallel_loop3A_204, %parallel_loop3A_205] {strides = array<i32>} : memref<4x4x1024xf32, #tpu.memory_space<vmem>>, vector<1x1x16xf32>,
        %parallel_loop3A_207 = vector.shape_cast %parallel_loop3A_206 : vector<1x1x16xf32> to vector<16xf32>
        %parallel_loop3A_208 = arith.addf %parallel_loop3A_207, %parallel_loop3A_185 : vector<16xf32>
        %parallel_loop3A_209 = arith.constant 16 : i32
        %parallel_loop3A_210 = arith.addi %parallel_loop3A_175, %parallel_loop3A_209 : i32
        %parallel_loop3A_211 = arith.constant 0 : i32
        %parallel_loop3A_212 = arith.index_cast %scan3A_170 : i32 to index
        %parallel_loop3A_213 = arith.index_cast %parallel_loop3A_211 : i32 to index
        %parallel_loop3A_214 = arith.index_cast %parallel_loop3A_210 : i32 to index
        %parallel_loop3A_215 = tpu.vector_load %arg8[%parallel_loop3A_212, %parallel_loop3A_213, %parallel_loop3A_214] {strides = array<i32>} : memref<4x4x1024xf32, #tpu.memory_space<vmem>>, vector<1x1x16xf32>,
        %parallel_loop3A_216 = vector.shape_cast %parallel_loop3A_215 : vector<1x1x16xf32> to vector<16xf32>
        %parallel_loop3A_217 = vector.shape_cast %parallel_loop3A_208 : vector<16xf32> to vector<1x1x16xf32>
        tpu.vector_store %arg8[%parallel_loop3A_212, %parallel_loop3A_213, %parallel_loop3A_214], %parallel_loop3A_217 {strides = array<i32>} : memref<4x4x1024xf32, #tpu.memory_space<vmem>>, vector<1x1x16xf32>,
        %parallel_loop3A_218 = arith.constant 1 : i32
        %parallel_loop3A_219 = arith.index_cast %scan3A_170 : i32 to index
        %parallel_loop3A_220 = arith.index_cast %parallel_loop3A_218 : i32 to index
        %parallel_loop3A_221 = arith.index_cast %parallel_loop3A_175 : i32 to index
        %parallel_loop3A_222 = tpu.vector_load %arg8[%parallel_loop3A_219, %parallel_loop3A_220, %parallel_loop3A_221] {strides = array<i32>} : memref<4x4x1024xf32, #tpu.memory_space<vmem>>, vector<1x1x16xf32>,
        %parallel_loop3A_223 = vector.shape_cast %parallel_loop3A_222 : vector<1x1x16xf32> to vector<16xf32>
        %parallel_loop3A_224 = arith.addf %parallel_loop3A_223, %parallel_loop3A_179 : vector<16xf32>
        %parallel_loop3A_225 = arith.constant 1 : i32
        %parallel_loop3A_226 = arith.index_cast %scan3A_170 : i32 to index
        %parallel_loop3A_227 = arith.index_cast %parallel_loop3A_225 : i32 to index
        %parallel_loop3A_228 = arith.index_cast %parallel_loop3A_175 : i32 to index
        %parallel_loop3A_229 = tpu.vector_load %arg8[%parallel_loop3A_226, %parallel_loop3A_227, %parallel_loop3A_228] {strides = array<i32>} : memref<4x4x1024xf32, #tpu.memory_space<vmem>>, vector<1x1x16xf32>,
        %parallel_loop3A_230 = vector.shape_cast %parallel_loop3A_229 : vector<1x1x16xf32> to vector<16xf32>
        %parallel_loop3A_231 = vector.shape_cast %parallel_loop3A_224 : vector<16xf32> to vector<1x1x16xf32>
        tpu.vector_store %arg8[%parallel_loop3A_226, %parallel_loop3A_227, %parallel_loop3A_228], %parallel_loop3A_231 {strides = array<i32>} : memref<4x4x1024xf32, #tpu.memory_space<vmem>>, vector<1x1x16xf32>,
        %parallel_loop3A_232 = arith.constant 16 : i32
        %parallel_loop3A_233 = arith.addi %parallel_loop3A_175, %parallel_loop3A_232 : i32
        %parallel_loop3A_234 = arith.constant 1 : i32
        %parallel_loop3A_235 = arith.index_cast %scan3A_170 : i32 to index
        %parallel_loop3A_236 = arith.index_cast %parallel_loop3A_234 : i32 to index
        %parallel_loop3A_237 = arith.index_cast %parallel_loop3A_233 : i32 to index
        %parallel_loop3A_238 = tpu.vector_load %arg8[%parallel_loop3A_235, %parallel_loop3A_236, %parallel_loop3A_237] {strides = array<i32>} : memref<4x4x1024xf32, #tpu.memory_space<vmem>>, vector<1x1x16xf32>,
        %parallel_loop3A_239 = vector.shape_cast %parallel_loop3A_238 : vector<1x1x16xf32> to vector<16xf32>
        %parallel_loop3A_240 = arith.addf %parallel_loop3A_239, %parallel_loop3A_185 : vector<16xf32>
        %parallel_loop3A_241 = arith.constant 16 : i32
        %parallel_loop3A_242 = arith.addi %parallel_loop3A_175, %parallel_loop3A_241 : i32
        %parallel_loop3A_243 = arith.constant 1 : i32
        %parallel_loop3A_244 = arith.index_cast %scan3A_170 : i32 to index
        %parallel_loop3A_245 = arith.index_cast %parallel_loop3A_243 : i32 to index
        %parallel_loop3A_246 = arith.index_cast %parallel_loop3A_242 : i32 to index
        %parallel_loop3A_247 = tpu.vector_load %arg8[%parallel_loop3A_244, %parallel_loop3A_245, %parallel_loop3A_246] {strides = array<i32>} : memref<4x4x1024xf32, #tpu.memory_space<vmem>>, vector<1x1x16xf32>,
        %parallel_loop3A_248 = vector.shape_cast %parallel_loop3A_247 : vector<1x1x16xf32> to vector<16xf32>
        %parallel_loop3A_249 = vector.shape_cast %parallel_loop3A_240 : vector<16xf32> to vector<1x1x16xf32>
        tpu.vector_store %arg8[%parallel_loop3A_244, %parallel_loop3A_245, %parallel_loop3A_246], %parallel_loop3A_249 {strides = array<i32>} : memref<4x4x1024xf32, #tpu.memory_space<vmem>>, vector<1x1x16xf32>,
        %parallel_loop3A_250 = arith.constant 2 : i32
        %parallel_loop3A_251 = arith.index_cast %scan3A_170 : i32 to index
        %parallel_loop3A_252 = arith.index_cast %parallel_loop3A_250 : i32 to index
        %parallel_loop3A_253 = arith.index_cast %parallel_loop3A_175 : i32 to index
        %parallel_loop3A_254 = tpu.vector_load %arg8[%parallel_loop3A_251, %parallel_loop3A_252, %parallel_loop3A_253] {strides = array<i32>} : memref<4x4x1024xf32, #tpu.memory_space<vmem>>, vector<1x1x16xf32>,
        %parallel_loop3A_255 = vector.shape_cast %parallel_loop3A_254 : vector<1x1x16xf32> to vector<16xf32>
        %parallel_loop3A_256 = arith.addf %parallel_loop3A_255, %parallel_loop3A_179 : vector<16xf32>
        %parallel_loop3A_257 = arith.constant 2 : i32
        %parallel_loop3A_258 = arith.index_cast %scan3A_170 : i32 to index
        %parallel_loop3A_259 = arith.index_cast %parallel_loop3A_257 : i32 to index
        %parallel_loop3A_260 = arith.index_cast %parallel_loop3A_175 : i32 to index
        %parallel_loop3A_261 = tpu.vector_load %arg8[%parallel_loop3A_258, %parallel_loop3A_259, %parallel_loop3A_260] {strides = array<i32>} : memref<4x4x1024xf32, #tpu.memory_space<vmem>>, vector<1x1x16xf32>,
        %parallel_loop3A_262 = vector.shape_cast %parallel_loop3A_261 : vector<1x1x16xf32> to vector<16xf32>
        %parallel_loop3A_263 = vector.shape_cast %parallel_loop3A_256 : vector<16xf32> to vector<1x1x16xf32>
        tpu.vector_store %arg8[%parallel_loop3A_258, %parallel_loop3A_259, %parallel_loop3A_260], %parallel_loop3A_263 {strides = array<i32>} : memref<4x4x1024xf32, #tpu.memory_space<vmem>>, vector<1x1x16xf32>,
        %parallel_loop3A_264 = arith.constant 16 : i32
        %parallel_loop3A_265 = arith.addi %parallel_loop3A_175, %parallel_loop3A_264 : i32
        %parallel_loop3A_266 = arith.constant 2 : i32
        %parallel_loop3A_267 = arith.index_cast %scan3A_170 : i32 to index
        %parallel_loop3A_268 = arith.index_cast %parallel_loop3A_266 : i32 to index
        %parallel_loop3A_269 = arith.index_cast %parallel_loop3A_265 : i32 to index
        %parallel_loop3A_270 = tpu.vector_load %arg8[%parallel_loop3A_267, %parallel_loop3A_268, %parallel_loop3A_269] {strides = array<i32>} : memref<4x4x1024xf32, #tpu.memory_space<vmem>>, vector<1x1x16xf32>,
        %parallel_loop3A_271 = vector.shape_cast %parallel_loop3A_270 : vector<1x1x16xf32> to vector<16xf32>
        %parallel_loop3A_272 = arith.addf %parallel_loop3A_271, %parallel_loop3A_185 : vector<16xf32>
        %parallel_loop3A_273 = arith.constant 16 : i32
        %parallel_loop3A_274 = arith.addi %parallel_loop3A_175, %parallel_loop3A_273 : i32
        %parallel_loop3A_275 = arith.constant 2 : i32
        %parallel_loop3A_276 = arith.index_cast %scan3A_170 : i32 to index
        %parallel_loop3A_277 = arith.index_cast %parallel_loop3A_275 : i32 to index
        %parallel_loop3A_278 = arith.index_cast %parallel_loop3A_274 : i32 to index
        %parallel_loop3A_279 = tpu.vector_load %arg8[%parallel_loop3A_276, %parallel_loop3A_277, %parallel_loop3A_278] {strides = array<i32>} : memref<4x4x1024xf32, #tpu.memory_space<vmem>>, vector<1x1x16xf32>,
        %parallel_loop3A_280 = vector.shape_cast %parallel_loop3A_279 : vector<1x1x16xf32> to vector<16xf32>
        %parallel_loop3A_281 = vector.shape_cast %parallel_loop3A_272 : vector<16xf32> to vector<1x1x16xf32>
        tpu.vector_store %arg8[%parallel_loop3A_276, %parallel_loop3A_277, %parallel_loop3A_278], %parallel_loop3A_281 {strides = array<i32>} : memref<4x4x1024xf32, #tpu.memory_space<vmem>>, vector<1x1x16xf32>,
        %parallel_loop3A_282 = arith.constant 3 : i32
        %parallel_loop3A_283 = arith.index_cast %scan3A_170 : i32 to index
        %parallel_loop3A_284 = arith.index_cast %parallel_loop3A_282 : i32 to index
        %parallel_loop3A_285 = arith.index_cast %parallel_loop3A_175 : i32 to index
        %parallel_loop3A_286 = tpu.vector_load %arg8[%parallel_loop3A_283, %parallel_loop3A_284, %parallel_loop3A_285] {strides = array<i32>} : memref<4x4x1024xf32, #tpu.memory_space<vmem>>, vector<1x1x16xf32>,
        %parallel_loop3A_287 = vector.shape_cast %parallel_loop3A_286 : vector<1x1x16xf32> to vector<16xf32>
        %parallel_loop3A_288 = arith.addf %parallel_loop3A_287, %parallel_loop3A_179 : vector<16xf32>
        %parallel_loop3A_289 = arith.constant 3 : i32
        %parallel_loop3A_290 = arith.index_cast %scan3A_170 : i32 to index
        %parallel_loop3A_291 = arith.index_cast %parallel_loop3A_289 : i32 to index
        %parallel_loop3A_292 = arith.index_cast %parallel_loop3A_175 : i32 to index
        %parallel_loop3A_293 = tpu.vector_load %arg8[%parallel_loop3A_290, %parallel_loop3A_291, %parallel_loop3A_292] {strides = array<i32>} : memref<4x4x1024xf32, #tpu.memory_space<vmem>>, vector<1x1x16xf32>,
        %parallel_loop3A_294 = vector.shape_cast %parallel_loop3A_293 : vector<1x1x16xf32> to vector<16xf32>
        %parallel_loop3A_295 = vector.shape_cast %parallel_loop3A_288 : vector<16xf32> to vector<1x1x16xf32>
        tpu.vector_store %arg8[%parallel_loop3A_290, %parallel_loop3A_291, %parallel_loop3A_292], %parallel_loop3A_295 {strides = array<i32>} : memref<4x4x1024xf32, #tpu.memory_space<vmem>>, vector<1x1x16xf32>,
        %parallel_loop3A_296 = arith.constant 16 : i32
        %parallel_loop3A_297 = arith.addi %parallel_loop3A_175, %parallel_loop3A_296 : i32
        %parallel_loop3A_298 = arith.constant 3 : i32
        %parallel_loop3A_299 = arith.index_cast %scan3A_170 : i32 to index
        %parallel_loop3A_300 = arith.index_cast %parallel_loop3A_298 : i32 to index
        %parallel_loop3A_301 = arith.index_cast %parallel_loop3A_297 : i32 to index
        %parallel_loop3A_302 = tpu.vector_load %arg8[%parallel_loop3A_299, %parallel_loop3A_300, %parallel_loop3A_301] {strides = array<i32>} : memref<4x4x1024xf32, #tpu.memory_space<vmem>>, vector<1x1x16xf32>,
        %parallel_loop3A_303 = vector.shape_cast %parallel_loop3A_302 : vector<1x1x16xf32> to vector<16xf32>
        %parallel_loop3A_304 = arith.addf %parallel_loop3A_303, %parallel_loop3A_185 : vector<16xf32>
        %parallel_loop3A_305 = arith.constant 16 : i32
        %parallel_loop3A_306 = arith.addi %parallel_loop3A_175, %parallel_loop3A_305 : i32
        %parallel_loop3A_307 = arith.constant 3 : i32
        %parallel_loop3A_308 = arith.index_cast %scan3A_170 : i32 to index
        %parallel_loop3A_309 = arith.index_cast %parallel_loop3A_307 : i32 to index
        %parallel_loop3A_310 = arith.index_cast %parallel_loop3A_306 : i32 to index
        %parallel_loop3A_311 = tpu.vector_load %arg8[%parallel_loop3A_308, %parallel_loop3A_309, %parallel_loop3A_310] {strides = array<i32>} : memref<4x4x1024xf32, #tpu.memory_space<vmem>>, vector<1x1x16xf32>,
        %parallel_loop3A_312 = vector.shape_cast %parallel_loop3A_311 : vector<1x1x16xf32> to vector<16xf32>
        %parallel_loop3A_313 = vector.shape_cast %parallel_loop3A_304 : vector<16xf32> to vector<1x1x16xf32>
        tpu.vector_store %arg8[%parallel_loop3A_308, %parallel_loop3A_309, %parallel_loop3A_310], %parallel_loop3A_313 {strides = array<i32>} : memref<4x4x1024xf32, #tpu.memory_space<vmem>>, vector<1x1x16xf32>,
      } {sc.loop_unroll_factor = 4 : i64, sc.parallel_access}
    }
    %scan3A_137 = arith.constant 4 : i32
    %add3A_138 = arith.constant 12 : i32
    %add3A_139 = arith.addi %add3A_4, %add3A_138 : i32
    %dma_start3A_140 = arith.constant 0 : i32
    %dma_start3A_141 = arith.constant 0 : i32
    %dma_start3A_142 = tpu.memref_slice %arg4[%add3A_139, %dma_start3A_140, %dma_start3A_141] : memref<2048x4x1024xf32, #tpu.memory_space<hbm>> -> memref<4x4x1024xf32, #tpu.memory_space<hbm>>
    %dma_start3A_143 = arith.constant 0 : i32
    %dma_start3A_144 = arith.constant 0 : i32
    %dma_start3A_145 = tpu.memref_slice %arg4[%add3A_139, %dma_start3A_143, %dma_start3A_144] : memref<2048x4x1024xf32, #tpu.memory_space<hbm>> -> memref<4x4x1024xf32, #tpu.memory_space<hbm>>
    tpu.enqueue_dma source(%arg8 : memref<4x4x1024xf32, #tpu.memory_space<vmem>>) target(%dma_start3A_145 : memref<4x4x1024xf32, #tpu.memory_space<hbm>>) target_semaphore(%arg32 : memref<!tpu.dma_semaphore, #tpu.memory_space<semaphore_mem>>)
    %dma_wait3A_146 = arith.constant 0 : i32
    %dma_wait3A_147 = arith.constant 0 : i32
    %dma_wait3A_148 = tpu.memref_slice %arg4[%add3A_67, %dma_wait3A_146, %dma_wait3A_147] : memref<2048x4x1024xf32, #tpu.memory_space<hbm>> -> memref<4x4x1024xf32, #tpu.memory_space<hbm>>
    %dma_wait3A_149 = arith.constant 0 : i32
    %dma_wait3A_150 = arith.constant 0 : i32
    %dma_wait3A_151 = tpu.memref_slice %arg4[%add3A_67, %dma_wait3A_149, %dma_wait3A_150] : memref<2048x4x1024xf32, #tpu.memory_space<hbm>> -> memref<4x4x1024xf32, #tpu.memory_space<hbm>>
    tpu.wait_dma2 semaphore(%arg29 : memref<!tpu.dma_semaphore, #tpu.memory_space<semaphore_mem>>) src(%arg5 : memref<4x4x1024xf32, #tpu.memory_space<vmem>>) dst(%dma_wait3A_151 : memref<4x4x1024xf32, #tpu.memory_space<hbm>>)
    %dma_wait3A_152 = arith.constant 0 : i32
    %dma_wait3A_153 = arith.constant 0 : i32
    %dma_wait3A_154 = tpu.memref_slice %arg4[%add3A_91, %dma_wait3A_152, %dma_wait3A_153] : memref<2048x4x1024xf32, #tpu.memory_space<hbm>> -> memref<4x4x1024xf32, #tpu.memory_space<hbm>>
    %dma_wait3A_155 = arith.constant 0 : i32
    %dma_wait3A_156 = arith.constant 0 : i32
    %dma_wait3A_157 = tpu.memref_slice %arg4[%add3A_91, %dma_wait3A_155, %dma_wait3A_156] : memref<2048x4x1024xf32, #tpu.memory_space<hbm>> -> memref<4x4x1024xf32, #tpu.memory_space<hbm>>
    tpu.wait_dma2 semaphore(%arg30 : memref<!tpu.dma_semaphore, #tpu.memory_space<semaphore_mem>>) src(%arg6 : memref<4x4x1024xf32, #tpu.memory_space<vmem>>) dst(%dma_wait3A_157 : memref<4x4x1024xf32, #tpu.memory_space<hbm>>)
    %dma_wait3A_158 = arith.constant 0 : i32
    %dma_wait3A_159 = arith.constant 0 : i32
    %dma_wait3A_160 = tpu.memref_slice %arg4[%add3A_115, %dma_wait3A_158, %dma_wait3A_159] : memref<2048x4x1024xf32, #tpu.memory_space<hbm>> -> memref<4x4x1024xf32, #tpu.memory_space<hbm>>
    %dma_wait3A_161 = arith.constant 0 : i32
    %dma_wait3A_162 = arith.constant 0 : i32
    %dma_wait3A_163 = tpu.memref_slice %arg4[%add3A_115, %dma_wait3A_161, %dma_wait3A_162] : memref<2048x4x1024xf32, #tpu.memory_space<hbm>> -> memref<4x4x1024xf32, #tpu.memory_space<hbm>>
    tpu.wait_dma2 semaphore(%arg31 : memref<!tpu.dma_semaphore, #tpu.memory_space<semaphore_mem>>) src(%arg7 : memref<4x4x1024xf32, #tpu.memory_space<vmem>>) dst(%dma_wait3A_163 : memref<4x4x1024xf32, #tpu.memory_space<hbm>>)
    %dma_wait3A_164 = arith.constant 0 : i32
    %dma_wait3A_165 = arith.constant 0 : i32
    %dma_wait3A_166 = tpu.memref_slice %arg4[%add3A_139, %dma_wait3A_164, %dma_wait3A_165] : memref<2048x4x1024xf32, #tpu.memory_space<hbm>> -> memref<4x4x1024xf32, #tpu.memory_space<hbm>>
    %dma_wait3A_167 = arith.constant 0 : i32
    %dma_wait3A_168 = arith.constant 0 : i32
    %dma_wait3A_169 = tpu.memref_slice %arg4[%add3A_139, %dma_wait3A_167, %dma_wait3A_168] : memref<2048x4x1024xf32, #tpu.memory_space<hbm>> -> memref<4x4x1024xf32, #tpu.memory_space<hbm>>
    tpu.wait_dma2 semaphore(%arg32 : memref<!tpu.dma_semaphore, #tpu.memory_space<semaphore_mem>>) src(%arg8 : memref<4x4x1024xf32, #tpu.memory_space<vmem>>) dst(%dma_wait3A_169 : memref<4x4x1024xf32, #tpu.memory_space<hbm>>)
    return
  }
}

module attributes {stable_mosaic.version = 14 : i64} {
  func.func @_tc_add_kernel(%arg0: i32, %arg1: memref<256x4x1024xf32, #tpu.memory_space<vmem>>, %arg2: memref<256x1024xf32, #tpu.memory_space<vmem>>, %arg3: memref<2048x4x1024xf32, #tpu.memory_space<any>>, %arg4: memref<256x4x1024xf32, #tpu.memory_space<vmem>>) attributes {dimension_semantics = [#tpu.dimension_semantics<arbitrary>], iteration_bounds = array<i64: 6>, scalar_prefetch = 0 : i64, scratch_operands = 0 : i64, tpu.core_type = #tpu.core_type<tc>, window_params = [{transform_indices = @transform_0, window_bounds = array<i64: 256, 4, 1024>}, {transform_indices = @transform_1, window_bounds = array<i64: 256, 1024>}, {}, {transform_indices = @transform_3, window_bounds = array<i64: 256, 4, 1024>}]} {
    %get3A = arith.constant 0 : index
    %get3A_0 = arith.constant 0 : index
    %get3A_1 = arith.constant 0 : index
    %get3A_2 = vector.load %arg1[%get3A, %get3A_0, %get3A_1] : memref<256x4x1024xf32, #tpu.memory_space<vmem>>, vector<256x4x1024xf32>
    %get3A_3 = arith.constant 0 : index
    %get3A_4 = arith.constant 0 : index
    %get3A_5 = vector.load %arg2[%get3A_3, %get3A_4] : memref<256x1024xf32, #tpu.memory_space<vmem>>, vector<256x1024xf32>
    %broadcast_in_dim3A = vector.shape_cast %get3A_5 : vector<256x1024xf32> to vector<256x1x1024xf32>
    %add3A = vector.broadcast %broadcast_in_dim3A : vector<256x1x1024xf32> to vector<256x4x1024xf32>
    %add3A_6 = arith.addf %get3A_2, %add3A : vector<256x4x1024xf32>
    %swap3A = arith.constant 0 : index
    %swap3A_7 = arith.constant 0 : index
    %swap3A_8 = arith.constant 0 : index
    %swap3A_9 = vector.load %arg4[%swap3A, %swap3A_7, %swap3A_8] : memref<256x4x1024xf32, #tpu.memory_space<vmem>>, vector<256x4x1024xf32>
    tpu.vector_store %arg4[%swap3A, %swap3A_7, %swap3A_8], %add3A_6 {strides = array<i32>} : memref<256x4x1024xf32, #tpu.memory_space<vmem>>, vector<256x4x1024xf32>,
    return
  }
  func.func @transform_0(%arg0: i32) -> (i32, i32, i32) {
    %c0_i32 = arith.constant 0 : i32
    %c0_i32_0 = arith.constant 0 : i32
    %c0_i32_1 = arith.constant 0 : i32
    return %arg0, %c0_i32, %c0_i32_0 : i32, i32, i32
  }
  func.func @transform_1(%arg0: i32) -> (i32, i32) {
    %c0_i32 = arith.constant 0 : i32
    %c0_i32_0 = arith.constant 0 : i32
    return %arg0, %c0_i32 : i32, i32
  }
  func.func @transform_3(%arg0: i32) -> (i32, i32, i32) {
    %c0_i32 = arith.constant 0 : i32
    %c0_i32_0 = arith.constant 0 : i32
    %c0_i32_1 = arith.constant 0 : i32
    return %arg0, %c0_i32, %c0_i32_0 : i32, i32, i32
  }
}

</mosaic_0001>

<sc_bundles>
// kernel: kernel.4.cloned.1.call-start
scs
__scs_entry_jumppad:
0x0: {  	(pc) =	sbr.rel $0x88, $3  }
0x1: {  	(tag) =	ssettag $0x0;
	lr =	simm.s32 $0x1  }
0x2: {  	[smem:$0x3F9F] =	sst lr;
	_ =	strace $0xD0000000  }
0x3: {  	_ = 	snop  }
0x4: {  	_ = 	snop  }
0x5: {  	_ = 	snop  }
0x6: {  	_ = 	snop  }
0x7: {  	_ = 	snop  }
__scs_overlays_trampoline_lowered:
0x8: {  	[smem:$0x3FAE] =	sst s0  }
0x9: {  	[smem:$0x3FAF] =	sst s1  }
0xa: {  	[smem:$0x3FB0] =	sst s2  }
0xb: {  	[smem:$0x3FB1] =	sst s3  }
0xc: {  	[smem:$0x3FB2] =	sst s4  }
0xd: {  	[smem:$0x3FB3] =	sst s5  }
0xe: {  	[smem:$0x3FB4] =	sst s6  }
0xf: {  	[smem:$0x3FB5] =	sst s7  }
0x10: {  	[smem:$0x3FB6] =	sst s8  }
0x11: {  	[smem:$0x3FB7] =	sst s9;
	s0 =	simm.s32 @!p0 $0x0  }
0x12: {  	s1 =	sld [smem:$0x3F9D];
	s0 =	simm.s32 @p0 $0x1  }
0x13: {  	[smem:$0x3FB8] =	sst s0;
	s0 =	simm.s32 @!p1 $0x0  }
0x14: {  	s2 =	sld [smem:$0x3F9C];
	s0 =	simm.s32 @p1 $0x1  }
0x15: {  	[smem:$0x3FB9] =	sst s0;
	s0 =	simm.s32 @!p2 $0x0  }
0x16: {  	s3 =	sld [smem:$0x3FDB];
	s0 =	simm.s32 @p2 $0x1  }
0x17: {  	s4 =	simm.s32 $0x1BF5;
	[smem:$0x3FBB] =	sst s0  }
0x18: {  	s0 =	sld [smem:$0x3F9E];
	_ =	swait.ge [sflag:s4], $0x0  }
0x19: {  	s7 =	sld [smem:$0x3F9F]  }
0x1a: {  	s8 =	sadd.s32 $0xFFFFE003, lr  }
0x1b: {  	s9 =	sadd.s32 $0xFFFFFEF7, lr;
	s5 =	simm.s32 $0xFFFFFFFF;
	p2 =	slt.u32 s8, $0xFFFFF086  }
0x1c: {  	p1 =	slt.u32 s9, $0xF7A;
	s5 =	simm.s32 @!p2 $0x0  }
0x1d: {  	s5 =	simm.s32 @p1 $0x1;
	p0 =	seq.s32 s7, s2  }
0x1e: {  	s7 =	smul.u32 @!p0 $0xF7A, s2;
	p2 =	seq.s32 @!p0 s5, $0x0  }
0x1f: {  	s9 =	smul.u32 $0xF7A, s1;
	s8 =	simm.s32 @!p0 $0x1BF5;
	p2 =	por !p2, p0  }
0x20: {  	[sflag:s8] =	ssyncset.s32 @!p0 $0xFFFFF086;
	s6 =	sadd.s32 @!p0 s3, s7;
	s7 =	simm.s32 @!p0 $0x108  }
0x21: {  	s3 =	sadd.s32 s3, s9;
	s6 =	sadd.s32 @!p0 $0x88, s6;
	s7 =	simm.s32 @p2 $0x1082  }
0x22: {  	[simem:s7], [sflag:s8] =	dma.local @!p0 [hbm:s6], $0xF7A  }
0x23: {  	s9 =	sor.u32 $0xD0000000, s2;
	s6 =	simm.s32 $0x108;
	_ =	swait.ge @!p0 [sflag:s8], $0x0  }
0x24: {  	s3 =	sadd.s32 $0x88, s3;
	s6 =	simm.s32 @!p1 $0x1082;
	[sflag:s4] =	ssyncset.s32 $0xFFFFF086  }
0x25: {  	[simem:s6], [sflag:s4] =	dma.local [hbm:s3], $0xF7A  }
0x26: {  	[smem:$0x3F9F] =	sst s1;
	(tag) =	ssettag s2;
	_ =	strace s9  }
0x27: {  	s1 =	sld [smem:$0x3FAF]  }
0x28: {  	s2 =	sld [smem:$0x3FB0]  }
0x29: {  	s4 =	sld [smem:$0x3FB2]  }
0x2a: {  	p0 =	seq.s32 s5, $0x0;
	s5 =	sld [smem:$0x3FB3]  }
0x2b: {  	s6 =	sld [smem:$0x3FB4]  }
0x2c: {  	s7 =	sld [smem:$0x3FB5]  }
0x2d: {  	s3 =	simm.s32 $0x108;
	s8 =	sld [smem:$0x3FB6]  }
0x2e: {  	s3 =	simm.s32 @!p0 $0x1082;
	s9 =	sld [smem:$0x3FB7]  }
0x2f: {  	lr =	sadd.s32 s0, s3;
	s0 =	sld [smem:$0x3FAE]  }
0x30: {  	s3 =	sld [smem:$0x3FB1]  }
0x31: {  	[smem:$0x3FBA] =	sst s10  }
0x32: {  	s10 =	sld [smem:$0x3FB8];
	_ =	sdelay $0x3  }
0x33: {  	p0 =	seq.s32 s10, $0x1;
	s10 =	sld [smem:$0x3FBA];
	_ =	sdelay $0x3  }
0x34: {  	[smem:$0x3FBA] =	sst s10  }
0x35: {  	s10 =	sld [smem:$0x3FB9];
	_ =	sdelay $0x3  }
0x36: {  	p1 =	seq.s32 s10, $0x1;
	s10 =	sld [smem:$0x3FBA];
	_ =	sdelay $0x3  }
0x37: {  	[smem:$0x3FBA] =	sst s10  }
0x38: {  	s10 =	sld [smem:$0x3FBB]  }
0x39: {  	_ = 	snop;
	(pc) =	sbr.ind lr, $3  }
0x3a: {  	_ = 	snop  }
0x3b: {  	_ = 	snop  }
0x3c: {  	p2 =	seq.s32 s10, $0x1;
	s10 =	sld [smem:$0x3FBA]  }
0x3d: {  	_ =	shalt  }
0x3e: {  	_ =	shalt  }
0x3f: {  	_ =	shalt  }
0x40: {  	_ =	shalt  }
0x41: {  	_ =	shalt  }
0x42: {  	_ =	shalt  }
0x43: {  	_ =	shalt  }
0x44: {  	_ =	shalt  }
0x45: {  	_ =	shalt  }
0x46: {  	_ =	shalt  }
0x47: {  	_ =	shalt  }
0x48: {  	_ =	shalt  }
0x49: {  	_ =	shalt  }
0x4a: {  	_ =	shalt  }
0x4b: {  	_ =	shalt  }
0x4c: {  	_ =	shalt  }
0x4d: {  	_ =	shalt  }
0x4e: {  	_ =	shalt  }
0x4f: {  	_ =	shalt  }
0x50: {  	_ =	shalt  }
0x51: {  	_ =	shalt  }
0x52: {  	_ =	shalt  }
0x53: {  	_ =	shalt  }
0x54: {  	_ =	shalt  }
0x55: {  	_ =	shalt  }
0x56: {  	_ =	shalt  }
0x57: {  	_ =	shalt  }
0x58: {  	_ =	shalt  }
0x59: {  	_ =	shalt  }
0x5a: {  	_ =	shalt  }
0x5b: {  	_ =	shalt  }
0x5c: {  	_ =	shalt  }
0x5d: {  	_ =	shalt  }
0x5e: {  	_ =	shalt  }
0x5f: {  	_ =	shalt  }
0x60: {  	_ =	shalt  }
0x61: {  	_ =	shalt  }
0x62: {  	_ =	shalt  }
0x63: {  	_ =	shalt  }
0x64: {  	_ =	shalt  }
0x65: {  	_ =	shalt  }
0x66: {  	_ =	shalt  }
0x67: {  	_ =	shalt  }
0x68: {  	_ =	shalt  }
0x69: {  	_ =	shalt  }
0x6a: {  	_ =	shalt  }
0x6b: {  	_ =	shalt  }
0x6c: {  	_ =	shalt  }
0x6d: {  	_ =	shalt  }
0x6e: {  	_ =	shalt  }
0x6f: {  	_ =	shalt  }
0x70: {  	_ =	shalt  }
0x71: {  	_ =	shalt  }
0x72: {  	_ =	shalt  }
0x73: {  	_ =	shalt  }
0x74: {  	_ =	shalt  }
0x75: {  	_ =	shalt  }
0x76: {  	_ =	shalt  }
0x77: {  	_ =	shalt  }
0x78: {  	_ =	shalt  }
0x79: {  	_ =	shalt  }
0x7a: {  	_ =	shalt  }
0x7b: {  	_ =	shalt  }
0x7c: {  	_ =	shalt  }
0x7d: {  	_ =	shalt  }
0x7e: {  	_ =	shalt  }
0x7f: {  	_ =	shalt  }
0x80: {  	_ =	shalt  }
0x81: {  	_ =	shalt  }
0x82: {  	_ =	shalt  }
0x83: {  	_ =	shalt  }
0x84: {  	_ =	shalt  }
0x85: {  	_ =	shalt  }
0x86: {  	_ =	shalt  }
0x87: {  	_ =	shalt  }
.Lfunc_end0:
.L_simem_size_0:
called_computation_lowered:
.L_overlay_start_0:
0x88: {  	s2 =	sld [smem:$0x3FD9]  }
0x89: {  	s3 =	sld [smem:$0x3FFE];
	_ =	sdelay $0x1  }
0x8a: {  	s1 =	srdreg.scid  }
0x8b: {  	s0 =	sand.u32 $0x1, s1  }
0x8c: {  	s18 =	sshll.u32 s0, $0xA;
	s2 =	sadd.s32 s3, s2  }
0x8d: {  	s2 =	sadd.s32 s2, s18  }
0x8e: {  	[smem:$0x3FC6] =	sst s2  }
0x8f: {  	_ = 	snop  }
0x90: {  	s2 =	sld [smem:$0x3FC9]  }
0x91: {  	s19 =	sld [smem:$0x3FC8]  }
0x92: {  	s4 =	sld [smem:$0x3FD0];
	(tm) =	ssettm $0x1  }
0x93: {  	s5 =	sld [smem:$0x3FFB];
	_ =	sdelay $0x3  }
0x94: {  	_ =	strace s5  }
0x95: {  	s5 =	sld [smem:$0x3FFC];
	_ =	sdelay $0x3  }
0x96: {  	_ =	strace s5  }
0x97: {  	s5 =	sld [smem:$0x3FFD];
	_ =	sdelay $0x3  }
0x98: {  	_ =	strace s5  }
0x99: {  	_ =	strace $0x8FFFFFFF  }
0x9a: {  	s20 =	sld [smem:$0x3FDB];
	_ =	sdelay $0x1  }
0x9b: {  	s6 =	simm.s32 $_scs_section_size  }
0x9c: {  	s7 =	simm.s32 $_size__tile_overlayer_lowered;
	s8 =	simm.s32 $_tile_overlayer_lowered  }
0x9d: {  	s23 =	simm.s32 $0x1BFF;
	s22 =	sshll.u32 s8, $0x1;
	s5 =	sadd.s32 s6, s20  }
0x9e: {  	s9 =	simm.s32 $0x0;
	s21 =	sshll.u32 s7, $0x1;
	s7 =	sadd.s32 s22, s5  }
0x9f: {  	[timem:s9], [sflag:s23] =	dma.local [hbm:s7], s21  }
0xa0: {  	_ =	swait.ge [sflag:s23], s21  }
0xa1: {  	s6 =	ssub.s32 $0x0, s21;
	[sflag:s23] =	ssyncset.done $0x0  }
0xa2: {  	[sflag:s23] =	ssyncadd.s32 s6;
	_ =	sdelay $0x1  }
0xa3: {  	s24 =	simm.s32 $0x1B8B  }
0xa4: {  	_ =	swait.ge [sflag:s24], $0x1  }
0xa5: {  	[sflag:s24] =	ssyncset.done $0x0  }
0xa6: {  	s25 =	simm.s32 $0x1B8E;
	[sflag:s24] =	ssyncadd.s32 $0xFFFFFFFF  }
0xa7: {  	s26 =	simm.s32 $execute0_lowered;
	[smem:$0x3FD2] =	sst s25  }
0xa8: {  	s6 =	sshll.u32 s26, $0x1;
	_ =	strace $0x80000046;
	[dreg:$0x1] =	wrdreg $0xFFFFFFFF  }
0xa9: {  	s28 =	simm.s32 $_size_execute0_lowered;
	s5 =	sadd.s32 s5, s6;
	[dreg:$0x0] =	wrdreg $0x0  }
0xaa: {  	s6 =	sshll.u32 s28, $0x1;
	[dreg:$0x2] =	wrdreg s5  }
0xab: {  	[dreg:$0x3] =	wrdreg s6  }
0xac: {  	[dreg:$0x4] =	wrdreg $0xC0  }
0xad: {  	_ =	task [dreg:s9], $0x5FFFF  }
0xae: {  	[dreg:$0x1] =	wrdreg $0xFFFFFFFF  }
0xaf: {  	[dreg:$0x0] =	wrdreg $0x60  }
0xb0: {  	[dreg:$0x2] =	wrdreg s2  }
0xb1: {  	[dreg:$0x3] =	wrdreg s19  }
0xb2: {  	[dreg:$0x4] =	wrdreg s4  }
0xb3: {  	[dreg:$0x5] =	wrdreg $0x9  }
0xb4: {  	_ =	task.clear_ibuf [dreg:s9], $0x6FFFF;
	_ =	strace $0x90000046  }
0xb5: {  	s29 =	simm.s32 $0x9;
	_ =	strace $0x80000048  }
0xb6: {  	_ =	swait.ge [sflag:s29], $0x1  }
0xb7: {  	[sflag:s29] =	ssyncadd.s32 $0xFFFFFFFF  }
0xb8: {  	_ =	strace $0x90000048  }
0xb9: {  	_ =	sfence  }
0xba: {  	s30 =	sld [smem:$0x0];
	_ =	sdelay $0x2  }
0xbb: {  	s31 =	sshll.u32 s1, $0xD;
	s1 =	sshrl.u32 s1, $0x2  }
0xbc: {  	s3 =	sand.u32 $0x4000, s31;
	s1 =	sadd.s32 s1, s30  }
0xbd: {  	s0 =	sor.u32 s3, s0;
	s1 =	sshll.u32 s1, $0x11  }
0xbe: {  	s0 =	sor.u32 s1, s0  }
0xbf: {  	s0 =	sadd.s32 $0x8F2B, s0  }
0xc0: {  	[sflag:s0] =	ssyncadd.remote.s32 $0x1  }
0xc1: {  	_ =	sfence.sel $0xFFFF  }
0xc2: {  	[dreg:$0x0] =	wrdreg $0xFFFFFFFF;
	(pc) =	sbr.abs _section_cstart, $3  }
0xc3: {  	[dreg:$0x1] =	wrdreg $0xFFFFFFFF  }
0xc4: {  	_ =	task.clear_ibuf [dreg:s9], $0x2FFFF;
	_ =	strace $0x9FFFFFFF  }
0xc5: {  	(tm) =	ssettm $0x7FFFFFFF  }
tec
execute0_lowered:
.L_overlay_start_1:
0x0: {  	(tag) =	ssettag $0x1  }
0x1: {  	s0 =	rddreg [dreg:$0x0]  }
0x2: {  	s1 =	rddreg [dreg:$0x1]  }
0x3: {  	s2 =	srdreg.scid;
	s3 =	rddreg [dreg:$0x2]  }
0x4: {  	s5 =	stileid.u32;
	s16 =	simm.s32 $0x200;
	s17 =	simm.s32 $0x400  }
0x5: {  	s28 =	simm.s32 $0x2;
	s29 =	simm.s32 $0x6;
	s30 =	simm.s32 $0x3  }
0x6: {  	s31 =	simm.s32 $0x7;
	s18 =	simm.s32 $0x9;
	s4 =	sand.u32 $0x1, s2  }
0x7: {  	s5 =	sshll.u32 s5, $0x5;
	s2 =	simm.s32 $0x0;
	s10 =	sadd.s32 $0x40, s1  }
0x8: {  	s6 =	sshll.u32 s4, $0x4;
	s4 =	ssub.s32 $0x2, s4;
	[smem:$0x7FF] =	sst s2  }
0x9: {  	s5 =	sor.u32 s6, s5;
	s20 =	sshrl.u32 s4, $0x1;
	_ =	strace $0x80000047  }
0xa: {  	s6 =	simm.s32 $0xC000;
	s7 =	sor.u32 $0x600, s5;
	s4 =	ssub.s32 s4, s20  }
0xb: {  	s22 =	sor.u32 $0x604, s5;
	s24 =	sor.u32 $0x608, s5;
	s5 =	sor.u32 $0x60C, s5  }
0xc: {  	s20 =	simm.s32 $0xA;
	s21 =	sshll.u32 s7, $0x9;
	s7 =	sshll.u32 s7, $0x7  }
0xd: {  	s23 =	sshll.u32 s22, $0x9;
	s13 =	sshll.u32 s24, $0x9;
	s26 =	sshll.u32 s5, $0x7  }
0xe: {  	s5 =	sshll.u32 s5, $0x9;
	s15 =	smax.u32 s4, $0x1;
	s8 =	sadd.s32 s0, s21  }
0xf: {  	s7 =	sadd.s32 s1, s7;
	s9 =	sadd.s32 s0, s23;
	s25 =	sadd.s32 s0, s13  }
0x10: {  	s11 =	sand.u32 $0x3FC00, s26;
	s12 =	sadd.s32 s3, s23;
	[dreg:$0x4] =	wrdreg s8  }
0x11: {  	s13 =	sadd.s32 s3, s13;
	s14 =	sadd.s32 s3, s5;
	[dreg:$0x5] =	wrdreg s7  }
0x12: {  	s26 =	simm.s32 $0x5;
	s8 =	sshll.u32 s22, $0x7;
	[dreg:$0x6] =	wrdreg s9  }
0x13: {  	[dreg:$0x8] =	wrdreg s25;
	s9 =	sshll.u32 s24, $0x7;
	s25 =	simm.s32 $0x1  }
0x14: {  	s22 =	simm.s32 $0xB;
	s24 =	simm.s32 $0xC;
	s8 =	sand.u32 $0x3F800, s8  }
0x15: {  	s8 =	sadd.s32 s8, s10;
	s10 =	sadd.s32 s11, s10;
	s11 =	sadd.s32 s3, s21  }
0x16: {  	s3 =	simm.s32 $0x0;
	[dreg:$0x7] =	wrdreg s8;
	s8 =	sadd.s32 s1, s9  }
0x17: {  	s9 =	sadd.s32 s0, s5;
	s0 =	simm.s32 $0x4;
	s1 =	simm.s32 $0x8  }
.LBB2_1:
0x18: {  	s4 =	rddreg [dreg:$0x4]  }
0x19: {  	[tilespmem:s2], [sflag:$0x1] =	stream.linear.gather [hbm4b:s4+s2], $0x4000, $0x38;
	[tilespmem:$0x14000] =	vst v63  }
0x1a: {  	s23 =	rddreg [dreg:$0x5];
	s5 =	simm.s32 $0x10000  }
0x1b: {  	[tilespmem:s5], [sflag:$0x5] =	stream.strided.gather [hbm4b:s23+s16], $0x1000, s17, s16, $0x38;
	[tilespmem:$0x14000] =	vst v63  }
0x1c: {  	s7 =	rddreg [dreg:$0x6];
	s19 =	simm.s32 $0x4000  }
0x1d: {  	[tilespmem:s19], [sflag:$0x2] =	stream.linear.gather [hbm4b:s7+s2], $0x4000, $0x38;
	[tilespmem:$0x14000] =	vst v63  }
0x1e: {  	s21 =	rddreg [dreg:$0x7];
	s23 =	simm.s32 $0x11000  }
0x1f: {  	[tilespmem:s23], [sflag:$0x6] =	stream.strided.gather [hbm4b:s21+s16], $0x1000, s17, s16, $0x38;
	[tilespmem:$0x14000] =	vst v63  }
0x20: {  	s7 =	rddreg [dreg:$0x8];
	s19 =	simm.s32 $0x8000  }
0x21: {  	[tilespmem:s19], [sflag:$0x3] =	stream.linear.gather [hbm4b:s7+s2], $0x4000, $0x38;
	[tilespmem:$0x14000] =	vst v63  }
0x22: {  	s21 =	simm.s32 $0x12000  }
0x23: {  	[tilespmem:s21], [sflag:$0x7] =	stream.strided.gather [hbm4b:s8+s16], $0x1000, s17, s16, $0x38;
	[tilespmem:$0x14000] =	vst v63  }
0x24: {  	_ = 	snop  }
0x25: {  	[tilespmem:s6], [sflag:$0x4] =	stream.linear.gather [hbm4b:s9+s2], $0x4000, $0x38;
	[tilespmem:$0x14000] =	vst v63  }
0x26: {  	s23 =	simm.s32 $0x13000  }
0x27: {  	[tilespmem:s23], [sflag:$0x8] =	stream.strided.gather [hbm4b:s10+s16], $0x1000, s17, s16, $0x38;
	[tilespmem:$0x14000] =	vst v63  }
0x28: {  	_ =	swait.ge [sflag:s25], $0x4000  }
0x29: {  	[sflag:s25] =	ssyncset.done $0x0  }
0x2a: {  	[sflag:s25] =	ssyncadd.s32 $0xFFFFC000  }
0x2b: {  	_ =	swait.ge [sflag:s26], $0x1000  }
0x2c: {  	s5 =	simm.s32 $0x10040;
	[sflag:s26] =	ssyncset.done $0x0  }
0x2d: {  	s19 =	simm.s32 $0x0;
	s23 =	simm.s32 $0x100;
	[sflag:s26] =	ssyncadd.s32 $0xFFFFF000  }
.LBB2_2:
0x2e: {  	v0 =	vld [tilespmem:s5+$0x30]  }
0x2f: {  	v6 =	vld [tilespmem:s23+$0xF0]  }
0x30: {  	v8 =	vld [tilespmem:s5+$0xFFFFFFD0]  }
0x31: {  	v4 =	vld [tilespmem:s23+$0xFFFFFF00]  }
0x32: {  	v7 =	vld [tilespmem:s23+$0xFFFFFF10]  }
0x33: {  	v1 =	vld [tilespmem:s23+$0xFFFFFF80]  }
0x34: {  	v11 =	vld [tilespmem:s23+$0xFFFFFF90]  }
0x35: {  	v2 =	vld [tilespmem:s23+$0x0]  }
0x36: {  	v3 =	vld [tilespmem:s5+$0x20]  }
0x37: {  	v12 =	vld [tilespmem:s23+$0x10]  }
0x38: {  	v9 =	vld [tilespmem:s5+$0xFFFFFFE0]  }
0x39: {  	v10 =	vld [tilespmem:s5+$0xFFFFFFF0]  }
0x3a: {  	v5 =	vld [tilespmem:s23+$0xFFFFFF20]  }
0x3b: {  	v13 =	vld [tilespmem:s23+$0xFFFFFF30]  }
0x3c: {  	v14 =	vld [tilespmem:s23+$0xFFFFFFA0]  }
0x3d: {  	v15 =	vld [tilespmem:s23+$0xFFFFFFB0]  }
0x3e: {  	v16 =	vld [tilespmem:s23+$0x20]  }
0x3f: {  	v18 =	vld [tilespmem:s23+$0x30]  }
0x40: {  	v19 =	vld [tilespmem:s23+$0xA0]  }
0x41: {  	v20 =	vld [tilespmem:s5+$0x0]  }
0x42: {  	v21 =	vld [tilespmem:s5+$0x10];
	v17 =	vadd.f32 v5, v9;
	v6 =	vadd.f32 v6, v0  }
0x43: {  	v63 =	vadd.f32 v7, v8;
	v7 =	vadd.f32 v12, v8;
	v12 =	vld [tilespmem:s5+$0xFFFFFFC0]  }
0x44: {  	v13 =	vadd.f32 v13, v10;
	[tilespmem:s23+$0xFFFFFF20] =	vst v17;
	v17 =	vld [tilespmem:s23+$0xB0]  }
0x45: {  	[tilespmem:s23+$0xF0] =	vst v6;
	v6 =	vadd.f32 v14, v9;
	v14 =	vld [tilespmem:s23+$0xFFFFFF40]  }
0x46: {  	[tilespmem:s23+$0xFFFFFF30] =	vst v13;
	v13 =	vadd.f32 v15, v10;
	v15 =	vld [tilespmem:s23+$0xFFFFFF50]  }
0x47: {  	[tilespmem:s23+$0xFFFFFFA0] =	vst v6;
	v6 =	vadd.f32 v16, v9;
	v16 =	vld [tilespmem:s23+$0xFFFFFFC0]  }
0x48: {  	[tilespmem:s23+$0xFFFFFFB0] =	vst v13;
	v13 =	vadd.f32 v18, v10;
	v18 =	vld [tilespmem:s23+$0xFFFFFFD0]  }
0x49: {  	[tilespmem:s23+$0x20] =	vst v6;
	v6 =	vadd.f32 v19, v9;
	v9 =	vld [tilespmem:s23+$0x40]  }
0x4a: {  	[tilespmem:s23+$0xFFFFFF10] =	vst v63;
	v19 =	vld [tilespmem:s23+$0xFFFFFFE0]  }
0x4b: {  	[tilespmem:s23+$0x30] =	vst v13;
	v13 =	vadd.f32 v14, v20;
	v14 =	vld [tilespmem:s23+$0x50]  }
0x4c: {  	v10 =	vadd.f32 v17, v10;
	v17 =	vld [tilespmem:s23+$0xFFFFFF60];
	[tilespmem:s23+$0xA0] =	vst v6  }
0x4d: {  	v15 =	vadd.f32 v15, v21;
	v6 =	vld [tilespmem:s23+$0xC0];
	[tilespmem:s23+$0xFFFFFF40] =	vst v13  }
0x4e: {  	[tilespmem:s23+$0xB0] =	vst v10;
	v10 =	vadd.f32 v16, v20;
	v16 =	vld [tilespmem:s23+$0xD0]  }
0x4f: {  	v13 =	vld [tilespmem:s23+$0x90];
	[tilespmem:s23+$0xFFFFFF50] =	vst v15;
	v9 =	vadd.f32 v9, v20  }
0x50: {  	v15 =	vadd.f32 v18, v21;
	v18 =	vld [tilespmem:s23+$0xFFFFFF70];
	[tilespmem:s23+$0xFFFFFFC0] =	vst v10;
	v10 =	vadd.f32 v14, v21  }
0x51: {  	[tilespmem:s23+$0x40] =	vst v9;
	v9 =	vld [tilespmem:s23+$0xFFFFFFF0]  }
0x52: {  	v14 =	vadd.f32 v6, v20;
	[tilespmem:s23+$0x50] =	vst v10;
	v10 =	vld [tilespmem:s23+$0x60]  }
0x53: {  	[tilespmem:s23+$0xFFFFFFD0] =	vst v15;
	v6 =	vadd.f32 v11, v8;
	v11 =	vld [tilespmem:s23+$0x70];
	v15 =	vadd.f32 v16, v21  }
0x54: {  	s21 =	simm.s32 $0x0;
	v8 =	vadd.f32 v13, v8;
	v13 =	vld [tilespmem:s23+$0xE0];
	v16 =	vadd.f32 v19, v3;
	[tilespmem:s23+$0xC0] =	vst v14  }
0x55: {  	s7 =	sadd.s32 $0x200, s5;
	s4 =	smov.u32 s23;
	s6 =	smov.u32 s23;
	v5 =	vld [tilespmem:s23+$0x80];
	v14 =	vadd.f32 v17, v3;
	[tilespmem:s23+$0xD0] =	vst v15;
	v15 =	vadd.f32 v18, v0  }
.LBB2_3:
0x56: {  	v17 =	vld [tilespmem:s7+$0x30];
	[tilespmem:s4+$0xFFFFFF90] =	vst v6;
	v9 =	vadd.f32 v9, v0;
	s6 =	sadd.s32 $0x200, s6  }
0x57: {  	s21 =	sadd.s32 $0x4, s21;
	v6 =	vld [tilespmem:s6+$0xF0];
	[tilespmem:s4+$0x10] =	vst v7;
	v7 =	vadd.f32 v10, v3  }
0x58: {  	p0 =	slt.u32 s21, $0x1C;
	v10 =	vld [tilespmem:s7+$0xFFFFFFD0];
	[tilespmem:s4+$0x90] =	vst v8;
	v8 =	vadd.f32 v11, v0  }
0x59: {  	v11 =	vld [tilespmem:s6+$0xFFFFFF00];
	[tilespmem:s4+$0xFFFFFF60] =	vst v14;
	v13 =	vadd.f32 v13, v3  }
0x5a: {  	v14 =	vld [tilespmem:s6+$0xFFFFFF10];
	v3 =	vadd.f32 v4, v12;
	v4 =	vadd.f32 v1, v12;
	[tilespmem:s4+$0xFFFFFF70] =	vst v15  }
0x5b: {  	v15 =	vadd.f32 v2, v12;
	v12 =	vadd.f32 v5, v12;
	v1 =	vld [tilespmem:s6+$0xFFFFFF80];
	[tilespmem:s4+$0xFFFFFFE0] =	vst v16;
	v0 =	vmov v17  }
0x5c: {  	v16 =	vld [tilespmem:s6+$0xFFFFFF90];
	v5 =	vadd.f32 v6, v0;
	[tilespmem:s4+$0xFFFFFF00] =	vst v3  }
0x5d: {  	v2 =	vld [tilespmem:s6+$0x0];
	[tilespmem:s4+$0xFFFFFF80] =	vst v4  }
0x5e: {  	v3 =	vld [tilespmem:s7+$0x20];
	[tilespmem:s6+$0xF0] =	vst v5;
	v4 =	vmov v11  }
0x5f: {  	v17 =	vadd.f32 v14, v10;
	v11 =	vld [tilespmem:s6+$0x10];
	[tilespmem:s4+$0x0] =	vst v15  }
0x60: {  	v5 =	vld [tilespmem:s6+$0x80];
	[tilespmem:s4+$0x80] =	vst v12  }
0x61: {  	v6 =	vadd.f32 v16, v10;
	v12 =	vld [tilespmem:s6+$0x90];
	[tilespmem:s4+$0xFFFFFFF0] =	vst v9  }
0x62: {  	v9 =	vld [tilespmem:s7+$0xFFFFFFE0];
	[tilespmem:s4+$0x60] =	vst v7  }
0x63: {  	v14 =	vld [tilespmem:s7+$0xFFFFFFF0];
	[tilespmem:s4+$0x70] =	vst v8  }
0x64: {  	v7 =	vadd.f32 v11, v10;
	v11 =	vld [tilespmem:s6+$0xFFFFFF20];
	[tilespmem:s4+$0xE0] =	vst v13;
	s4 =	smov.u32 s6  }
0x65: {  	v13 =	vld [tilespmem:s6+$0xFFFFFF30]  }
0x66: {  	v8 =	vadd.f32 v12, v10;
	v10 =	vld [tilespmem:s6+$0xFFFFFFA0]  }
0x67: {  	v12 =	vld [tilespmem:s6+$0xFFFFFFB0]  }
0x68: {  	v15 =	vld [tilespmem:s6+$0x20]  }
0x69: {  	v11 =	vadd.f32 v11, v9;
	v16 =	vld [tilespmem:s6+$0x30]  }
0x6a: {  	v13 =	vadd.f32 v13, v14;
	v18 =	vld [tilespmem:s6+$0xA0]  }
0x6b: {  	[tilespmem:s6+$0xFFFFFF20] =	vst v11;
	v10 =	vadd.f32 v10, v9;
	v11 =	vld [tilespmem:s6+$0xB0]  }
0x6c: {  	[tilespmem:s6+$0xFFFFFF30] =	vst v13;
	v12 =	vadd.f32 v12, v14;
	v13 =	vld [tilespmem:s7+$0x0]  }
0x6d: {  	[tilespmem:s6+$0xFFFFFFA0] =	vst v10;
	v10 =	vadd.f32 v15, v9;
	v15 =	vld [tilespmem:s7+$0x10]  }
0x6e: {  	[tilespmem:s6+$0xFFFFFFB0] =	vst v12;
	v12 =	vadd.f32 v16, v14;
	v16 =	vld [tilespmem:s6+$0xFFFFFF40]  }
0x6f: {  	[tilespmem:s6+$0x20] =	vst v10;
	v9 =	vadd.f32 v18, v9;
	v10 =	vld [tilespmem:s6+$0xFFFFFF50]  }
0x70: {  	[tilespmem:s6+$0x30] =	vst v12;
	v11 =	vadd.f32 v11, v14;
	v12 =	vld [tilespmem:s6+$0xFFFFFFC0]  }
0x71: {  	[tilespmem:s6+$0xA0] =	vst v9;
	v9 =	vld [tilespmem:s6+$0xFFFFFFD0]  }
0x72: {  	[tilespmem:s6+$0xB0] =	vst v11;
	v11 =	vld [tilespmem:s6+$0x40]  }
0x73: {  	v14 =	vadd.f32 v16, v13;
	v16 =	vld [tilespmem:s6+$0x50]  }
0x74: {  	v10 =	vadd.f32 v10, v15;
	v18 =	vld [tilespmem:s6+$0xC0]  }
0x75: {  	[tilespmem:s6+$0xFFFFFF40] =	vst v14;
	v12 =	vadd.f32 v12, v13;
	v14 =	vld [tilespmem:s6+$0xD0]  }
0x76: {  	[tilespmem:s6+$0xFFFFFF50] =	vst v10;
	v9 =	vadd.f32 v9, v15;
	v19 =	vld [tilespmem:s6+$0xFFFFFF60]  }
0x77: {  	[tilespmem:s6+$0xFFFFFFC0] =	vst v12;
	v10 =	vadd.f32 v11, v13;
	v12 =	vld [tilespmem:s6+$0xFFFFFF70]  }
0x78: {  	[tilespmem:s6+$0xFFFFFFD0] =	vst v9;
	v11 =	vadd.f32 v16, v15;
	v16 =	vld [tilespmem:s6+$0xFFFFFFE0]  }
.Ltmp0:
0x79: {  	[tilespmem:s6+$0x40] =	vst v10;
	v13 =	vadd.f32 v18, v13;
	v9 =	vld [tilespmem:s6+$0xFFFFFFF0];
	(pc) =	sbr.rel @p0 .LBB2_3-.Ltmp0, $4  }
0x7a: {  	[tilespmem:s6+$0x50] =	vst v11;
	v15 =	vadd.f32 v14, v15;
	v10 =	vld [tilespmem:s6+$0x60]  }
0x7b: {  	[tilespmem:s6+$0xC0] =	vst v13;
	v14 =	vadd.f32 v19, v3;
	v11 =	vld [tilespmem:s6+$0x70]  }
0x7c: {  	[tilespmem:s6+$0xD0] =	vst v15;
	v15 =	vadd.f32 v12, v0;
	v13 =	vld [tilespmem:s6+$0xE0]  }
0x7d: {  	v12 =	vld [tilespmem:s7+$0xFFFFFFC0];
	[tilespmem:s6+$0xFFFFFF10] =	vst v17;
	v16 =	vadd.f32 v16, v3;
	s7 =	sadd.s32 $0x200, s7  }
0x7e: {  	[tilespmem:s4+$0xFFFFFF90] =	vst v6  }
0x7f: {  	[tilespmem:s4+$0x10] =	vst v7  }
0x80: {  	[tilespmem:s4+$0x90] =	vst v8  }
0x81: {  	[tilespmem:s4+$0xFFFFFF60] =	vst v14  }
0x82: {  	[tilespmem:s4+$0xFFFFFF70] =	vst v15;
	v60 =	vadd.f32 v9, v0  }
0x83: {  	[tilespmem:s4+$0xFFFFFFE0] =	vst v16;
	v61 =	vadd.f32 v10, v3  }
0x84: {  	v62 =	vadd.f32 v11, v0;
	[tilespmem:s4+$0xFFFFFFF0] =	vst v60  }
0x85: {  	s19 =	sadd.s32 $0x1, s19;
	v63 =	vadd.f32 v13, v3;
	[tilespmem:s4+$0x60] =	vst v61  }
0x86: {  	p0 =	sne.s32 s19, $0x4;
	v4 =	vadd.f32 v4, v12;
	[tilespmem:s4+$0x70] =	vst v62  }
.Ltmp1:
0x87: {  	v1 =	vadd.f32 v1, v12;
	[tilespmem:s4+$0xE0] =	vst v63;
	(pc) =	sbr.rel @p0 .LBB2_2-.Ltmp1, $4  }
0x88: {  	v2 =	vadd.f32 v2, v12;
	[tilespmem:s4+$0xFFFFFF00] =	vst v4  }
0x89: {  	v59 =	vadd.f32 v5, v12;
	[tilespmem:s4+$0xFFFFFF80] =	vst v1  }
0x8a: {  	[tilespmem:s4+$0x0] =	vst v2  }
0x8b: {  	s23 =	sadd.s32 $0x1000, s23;
	s5 =	sadd.s32 $0x80, s5;
	[tilespmem:s4+$0x80] =	vst v59  }
0x8c: {  	s4 =	simm.s32 $0x0  }
0x8d: {  	[hbm4b:s11+s4] =	stream.linear.scatter [tilespmem:s4], [sflag:$0x9], $0x4000, $0x38;
	[tilespmem:$0x14000] =	vst v63  }
0x8e: {  	_ =	swait.ge [sflag:s28], $0x4000  }
0x8f: {  	[sflag:s28] =	ssyncset.done $0x0  }
0x90: {  	[sflag:s28] =	ssyncadd.s32 $0xFFFFC000  }
0x91: {  	_ =	swait.ge [sflag:s29], $0x1000  }
0x92: {  	[sflag:s29] =	ssyncset.done $0x0  }
0x93: {  	s5 =	simm.s32 $0x4100;
	s19 =	simm.s32 $0x11040;
	[sflag:s29] =	ssyncadd.s32 $0xFFFFF000  }
.LBB2_6:
0x94: {  	v0 =	vld [tilespmem:s19+$0x30]  }
0x95: {  	v6 =	vld [tilespmem:s5+$0xF0]  }
0x96: {  	v8 =	vld [tilespmem:s19+$0xFFFFFFD0]  }
0x97: {  	v4 =	vld [tilespmem:s5+$0xFFFFFF00]  }
0x98: {  	v7 =	vld [tilespmem:s5+$0xFFFFFF10]  }
0x99: {  	v1 =	vld [tilespmem:s5+$0xFFFFFF80]  }
0x9a: {  	v11 =	vld [tilespmem:s5+$0xFFFFFF90]  }
0x9b: {  	v2 =	vld [tilespmem:s5+$0x0]  }
0x9c: {  	v3 =	vld [tilespmem:s19+$0x20]  }
0x9d: {  	v12 =	vld [tilespmem:s5+$0x10]  }
0x9e: {  	v9 =	vld [tilespmem:s19+$0xFFFFFFE0]  }
0x9f: {  	v10 =	vld [tilespmem:s19+$0xFFFFFFF0]  }
0xa0: {  	v5 =	vld [tilespmem:s5+$0xFFFFFF20]  }
0xa1: {  	v13 =	vld [tilespmem:s5+$0xFFFFFF30]  }
0xa2: {  	v14 =	vld [tilespmem:s5+$0xFFFFFFA0]  }
0xa3: {  	v15 =	vld [tilespmem:s5+$0xFFFFFFB0]  }
0xa4: {  	v16 =	vld [tilespmem:s5+$0x20]  }
0xa5: {  	v18 =	vld [tilespmem:s5+$0x30]  }
0xa6: {  	v19 =	vld [tilespmem:s5+$0xA0]  }
0xa7: {  	v20 =	vld [tilespmem:s19+$0x0]  }
0xa8: {  	v21 =	vld [tilespmem:s19+$0x10];
	v17 =	vadd.f32 v5, v9;
	v6 =	vadd.f32 v6, v0  }
0xa9: {  	v63 =	vadd.f32 v7, v8;
	v7 =	vadd.f32 v12, v8;
	v12 =	vld [tilespmem:s19+$0xFFFFFFC0]  }
0xaa: {  	v13 =	vadd.f32 v13, v10;
	[tilespmem:s5+$0xFFFFFF20] =	vst v17;
	v17 =	vld [tilespmem:s5+$0xB0]  }
0xab: {  	[tilespmem:s5+$0xF0] =	vst v6;
	v6 =	vadd.f32 v14, v9;
	v14 =	vld [tilespmem:s5+$0xFFFFFF40]  }
0xac: {  	[tilespmem:s5+$0xFFFFFF30] =	vst v13;
	v13 =	vadd.f32 v15, v10;
	v15 =	vld [tilespmem:s5+$0xFFFFFF50]  }
0xad: {  	[tilespmem:s5+$0xFFFFFFA0] =	vst v6;
	v6 =	vadd.f32 v16, v9;
	v16 =	vld [tilespmem:s5+$0xFFFFFFC0]  }
0xae: {  	[tilespmem:s5+$0xFFFFFFB0] =	vst v13;
	v13 =	vadd.f32 v18, v10;
	v18 =	vld [tilespmem:s5+$0xFFFFFFD0]  }
0xaf: {  	[tilespmem:s5+$0x20] =	vst v6;
	v6 =	vadd.f32 v19, v9;
	v9 =	vld [tilespmem:s5+$0x40]  }
0xb0: {  	[tilespmem:s5+$0xFFFFFF10] =	vst v63;
	v19 =	vld [tilespmem:s5+$0xFFFFFFE0]  }
0xb1: {  	[tilespmem:s5+$0x30] =	vst v13;
	v13 =	vadd.f32 v14, v20;
	v14 =	vld [tilespmem:s5+$0x50]  }
0xb2: {  	v10 =	vadd.f32 v17, v10;
	v17 =	vld [tilespmem:s5+$0xFFFFFF60];
	[tilespmem:s5+$0xA0] =	vst v6  }
0xb3: {  	v15 =	vadd.f32 v15, v21;
	v6 =	vld [tilespmem:s5+$0xC0];
	[tilespmem:s5+$0xFFFFFF40] =	vst v13  }
0xb4: {  	[tilespmem:s5+$0xB0] =	vst v10;
	v10 =	vadd.f32 v16, v20;
	v16 =	vld [tilespmem:s5+$0xD0]  }
0xb5: {  	v13 =	vld [tilespmem:s5+$0x90];
	[tilespmem:s5+$0xFFFFFF50] =	vst v15;
	v9 =	vadd.f32 v9, v20  }
0xb6: {  	v15 =	vadd.f32 v18, v21;
	v18 =	vld [tilespmem:s5+$0xFFFFFF70];
	[tilespmem:s5+$0xFFFFFFC0] =	vst v10;
	v10 =	vadd.f32 v14, v21  }
0xb7: {  	[tilespmem:s5+$0x40] =	vst v9;
	v9 =	vld [tilespmem:s5+$0xFFFFFFF0]  }
0xb8: {  	v14 =	vadd.f32 v6, v20;
	[tilespmem:s5+$0x50] =	vst v10;
	v10 =	vld [tilespmem:s5+$0x60]  }
0xb9: {  	[tilespmem:s5+$0xFFFFFFD0] =	vst v15;
	v6 =	vadd.f32 v11, v8;
	v11 =	vld [tilespmem:s5+$0x70];
	v15 =	vadd.f32 v16, v21  }
0xba: {  	s21 =	simm.s32 $0x0;
	v8 =	vadd.f32 v13, v8;
	v13 =	vld [tilespmem:s5+$0xE0];
	v16 =	vadd.f32 v19, v3;
	[tilespmem:s5+$0xC0] =	vst v14  }
0xbb: {  	s7 =	sadd.s32 $0x200, s19;
	s6 =	smov.u32 s5;
	s23 =	smov.u32 s5;
	v5 =	vld [tilespmem:s5+$0x80];
	v14 =	vadd.f32 v17, v3;
	[tilespmem:s5+$0xD0] =	vst v15;
	v15 =	vadd.f32 v18, v0  }
.LBB2_7:
0xbc: {  	v17 =	vld [tilespmem:s7+$0x30];
	[tilespmem:s6+$0xFFFFFF90] =	vst v6;
	v9 =	vadd.f32 v9, v0;
	s23 =	sadd.s32 $0x200, s23  }
0xbd: {  	s21 =	sadd.s32 $0x4, s21;
	v6 =	vld [tilespmem:s23+$0xF0];
	[tilespmem:s6+$0x10] =	vst v7;
	v7 =	vadd.f32 v10, v3  }
0xbe: {  	p0 =	slt.u32 s21, $0x1C;
	v10 =	vld [tilespmem:s7+$0xFFFFFFD0];
	[tilespmem:s6+$0x90] =	vst v8;
	v8 =	vadd.f32 v11, v0  }
0xbf: {  	v11 =	vld [tilespmem:s23+$0xFFFFFF00];
	[tilespmem:s6+$0xFFFFFF60] =	vst v14;
	v13 =	vadd.f32 v13, v3  }
0xc0: {  	v14 =	vld [tilespmem:s23+$0xFFFFFF10];
	v3 =	vadd.f32 v4, v12;
	v4 =	vadd.f32 v1, v12;
	[tilespmem:s6+$0xFFFFFF70] =	vst v15  }
0xc1: {  	v15 =	vadd.f32 v2, v12;
	v12 =	vadd.f32 v5, v12;
	v1 =	vld [tilespmem:s23+$0xFFFFFF80];
	[tilespmem:s6+$0xFFFFFFE0] =	vst v16;
	v0 =	vmov v17  }
0xc2: {  	v16 =	vld [tilespmem:s23+$0xFFFFFF90];
	v5 =	vadd.f32 v6, v0;
	[tilespmem:s6+$0xFFFFFF00] =	vst v3  }
0xc3: {  	v2 =	vld [tilespmem:s23+$0x0];
	[tilespmem:s6+$0xFFFFFF80] =	vst v4  }
0xc4: {  	v3 =	vld [tilespmem:s7+$0x20];
	[tilespmem:s23+$0xF0] =	vst v5;
	v4 =	vmov v11  }
0xc5: {  	v17 =	vadd.f32 v14, v10;
	v11 =	vld [tilespmem:s23+$0x10];
	[tilespmem:s6+$0x0] =	vst v15  }
0xc6: {  	v5 =	vld [tilespmem:s23+$0x80];
	[tilespmem:s6+$0x80] =	vst v12  }
0xc7: {  	v6 =	vadd.f32 v16, v10;
	v12 =	vld [tilespmem:s23+$0x90];
	[tilespmem:s6+$0xFFFFFFF0] =	vst v9  }
0xc8: {  	v9 =	vld [tilespmem:s7+$0xFFFFFFE0];
	[tilespmem:s6+$0x60] =	vst v7  }
0xc9: {  	v14 =	vld [tilespmem:s7+$0xFFFFFFF0];
	[tilespmem:s6+$0x70] =	vst v8  }
0xca: {  	v7 =	vadd.f32 v11, v10;
	v11 =	vld [tilespmem:s23+$0xFFFFFF20];
	[tilespmem:s6+$0xE0] =	vst v13;
	s6 =	smov.u32 s23  }
0xcb: {  	v13 =	vld [tilespmem:s23+$0xFFFFFF30]  }
0xcc: {  	v8 =	vadd.f32 v12, v10;
	v10 =	vld [tilespmem:s23+$0xFFFFFFA0]  }
0xcd: {  	v12 =	vld [tilespmem:s23+$0xFFFFFFB0]  }
0xce: {  	v15 =	vld [tilespmem:s23+$0x20]  }
0xcf: {  	v11 =	vadd.f32 v11, v9;
	v16 =	vld [tilespmem:s23+$0x30]  }
0xd0: {  	v13 =	vadd.f32 v13, v14;
	v18 =	vld [tilespmem:s23+$0xA0]  }
0xd1: {  	[tilespmem:s23+$0xFFFFFF20] =	vst v11;
	v10 =	vadd.f32 v10, v9;
	v11 =	vld [tilespmem:s23+$0xB0]  }
0xd2: {  	[tilespmem:s23+$0xFFFFFF30] =	vst v13;
	v12 =	vadd.f32 v12, v14;
	v13 =	vld [tilespmem:s7+$0x0]  }
0xd3: {  	[tilespmem:s23+$0xFFFFFFA0] =	vst v10;
	v10 =	vadd.f32 v15, v9;
	v15 =	vld [tilespmem:s7+$0x10]  }
0xd4: {  	[tilespmem:s23+$0xFFFFFFB0] =	vst v12;
	v12 =	vadd.f32 v16, v14;
	v16 =	vld [tilespmem:s23+$0xFFFFFF40]  }
0xd5: {  	[tilespmem:s23+$0x20] =	vst v10;
	v9 =	vadd.f32 v18, v9;
	v10 =	vld [tilespmem:s23+$0xFFFFFF50]  }
0xd6: {  	[tilespmem:s23+$0x30] =	vst v12;
	v11 =	vadd.f32 v11, v14;
	v12 =	vld [tilespmem:s23+$0xFFFFFFC0]  }
0xd7: {  	[tilespmem:s23+$0xA0] =	vst v9;
	v9 =	vld [tilespmem:s23+$0xFFFFFFD0]  }
0xd8: {  	[tilespmem:s23+$0xB0] =	vst v11;
	v11 =	vld [tilespmem:s23+$0x40]  }
0xd9: {  	v14 =	vadd.f32 v16, v13;
	v16 =	vld [tilespmem:s23+$0x50]  }
0xda: {  	v10 =	vadd.f32 v10, v15;
	v18 =	vld [tilespmem:s23+$0xC0]  }
0xdb: {  	[tilespmem:s23+$0xFFFFFF40] =	vst v14;
	v12 =	vadd.f32 v12, v13;
	v14 =	vld [tilespmem:s23+$0xD0]  }
0xdc: {  	[tilespmem:s23+$0xFFFFFF50] =	vst v10;
	v9 =	vadd.f32 v9, v15;
	v19 =	vld [tilespmem:s23+$0xFFFFFF60]  }
0xdd: {  	[tilespmem:s23+$0xFFFFFFC0] =	vst v12;
	v10 =	vadd.f32 v11, v13;
	v12 =	vld [tilespmem:s23+$0xFFFFFF70]  }
0xde: {  	[tilespmem:s23+$0xFFFFFFD0] =	vst v9;
	v11 =	vadd.f32 v16, v15;
	v16 =	vld [tilespmem:s23+$0xFFFFFFE0]  }
.Ltmp2:
0xdf: {  	[tilespmem:s23+$0x40] =	vst v10;
	v13 =	vadd.f32 v18, v13;
	v9 =	vld [tilespmem:s23+$0xFFFFFFF0];
	(pc) =	sbr.rel @p0 .LBB2_7-.Ltmp2, $4  }
0xe0: {  	[tilespmem:s23+$0x50] =	vst v11;
	v15 =	vadd.f32 v14, v15;
	v10 =	vld [tilespmem:s23+$0x60]  }
0xe1: {  	[tilespmem:s23+$0xC0] =	vst v13;
	v14 =	vadd.f32 v19, v3;
	v11 =	vld [tilespmem:s23+$0x70]  }
0xe2: {  	[tilespmem:s23+$0xD0] =	vst v15;
	v15 =	vadd.f32 v12, v0;
	v13 =	vld [tilespmem:s23+$0xE0]  }
0xe3: {  	v12 =	vld [tilespmem:s7+$0xFFFFFFC0];
	[tilespmem:s23+$0xFFFFFF10] =	vst v17;
	v16 =	vadd.f32 v16, v3;
	s7 =	sadd.s32 $0x200, s7  }
0xe4: {  	[tilespmem:s6+$0xFFFFFF90] =	vst v6  }
0xe5: {  	[tilespmem:s6+$0x10] =	vst v7  }
0xe6: {  	[tilespmem:s6+$0x90] =	vst v8  }
0xe7: {  	[tilespmem:s6+$0xFFFFFF60] =	vst v14  }
0xe8: {  	[tilespmem:s6+$0xFFFFFF70] =	vst v15;
	v60 =	vadd.f32 v9, v0  }
0xe9: {  	[tilespmem:s6+$0xFFFFFFE0] =	vst v16;
	v61 =	vadd.f32 v10, v3  }
0xea: {  	v62 =	vadd.f32 v11, v0;
	[tilespmem:s6+$0xFFFFFFF0] =	vst v60  }
0xeb: {  	s4 =	sadd.s32 $0x1, s4;
	v63 =	vadd.f32 v13, v3;
	[tilespmem:s6+$0x60] =	vst v61  }
0xec: {  	p0 =	sne.s32 s4, $0x4;
	v4 =	vadd.f32 v4, v12;
	[tilespmem:s6+$0x70] =	vst v62  }
.Ltmp3:
0xed: {  	v1 =	vadd.f32 v1, v12;
	[tilespmem:s6+$0xE0] =	vst v63;
	(pc) =	sbr.rel @p0 .LBB2_6-.Ltmp3, $4  }
0xee: {  	v2 =	vadd.f32 v2, v12;
	[tilespmem:s6+$0xFFFFFF00] =	vst v4  }
0xef: {  	v59 =	vadd.f32 v5, v12;
	[tilespmem:s6+$0xFFFFFF80] =	vst v1  }
0xf0: {  	[tilespmem:s6+$0x0] =	vst v2  }
0xf1: {  	s5 =	sadd.s32 $0x1000, s5;
	s19 =	sadd.s32 $0x80, s19;
	[tilespmem:s6+$0x80] =	vst v59  }
0xf2: {  	s4 =	simm.s32 $0x0;
	s5 =	simm.s32 $0x4000  }
0xf3: {  	[hbm4b:s12+s4] =	stream.linear.scatter [tilespmem:s5], [sflag:$0xA], $0x4000, $0x38;
	[tilespmem:$0x14000] =	vst v63  }
0xf4: {  	_ =	swait.ge [sflag:s30], $0x4000  }
0xf5: {  	[sflag:s30] =	ssyncset.done $0x0  }
0xf6: {  	[sflag:s30] =	ssyncadd.s32 $0xFFFFC000  }
0xf7: {  	_ =	swait.ge [sflag:s31], $0x1000  }
0xf8: {  	[sflag:s31] =	ssyncset.done $0x0  }
0xf9: {  	s19 =	simm.s32 $0x12040;
	s5 =	simm.s32 $0x8100;
	[sflag:s31] =	ssyncadd.s32 $0xFFFFF000  }
.LBB2_10:
0xfa: {  	v0 =	vld [tilespmem:s19+$0x30]  }
0xfb: {  	v6 =	vld [tilespmem:s5+$0xF0]  }
0xfc: {  	v8 =	vld [tilespmem:s19+$0xFFFFFFD0]  }
0xfd: {  	v4 =	vld [tilespmem:s5+$0xFFFFFF00]  }
0xfe: {  	v7 =	vld [tilespmem:s5+$0xFFFFFF10]  }
0xff: {  	v1 =	vld [tilespmem:s5+$0xFFFFFF80]  }
0x100: {  	v11 =	vld [tilespmem:s5+$0xFFFFFF90]  }
0x101: {  	v2 =	vld [tilespmem:s5+$0x0]  }
0x102: {  	v3 =	vld [tilespmem:s19+$0x20]  }
0x103: {  	v12 =	vld [tilespmem:s5+$0x10]  }
0x104: {  	v9 =	vld [tilespmem:s19+$0xFFFFFFE0]  }
0x105: {  	v10 =	vld [tilespmem:s19+$0xFFFFFFF0]  }
0x106: {  	v5 =	vld [tilespmem:s5+$0xFFFFFF20]  }
0x107: {  	v13 =	vld [tilespmem:s5+$0xFFFFFF30]  }
0x108: {  	v14 =	vld [tilespmem:s5+$0xFFFFFFA0]  }
0x109: {  	v15 =	vld [tilespmem:s5+$0xFFFFFFB0]  }
0x10a: {  	v16 =	vld [tilespmem:s5+$0x20]  }
0x10b: {  	v18 =	vld [tilespmem:s5+$0x30]  }
0x10c: {  	v19 =	vld [tilespmem:s5+$0xA0]  }
0x10d: {  	v20 =	vld [tilespmem:s19+$0x0]  }
0x10e: {  	v21 =	vld [tilespmem:s19+$0x10];
	v17 =	vadd.f32 v5, v9;
	v6 =	vadd.f32 v6, v0  }
0x10f: {  	v63 =	vadd.f32 v7, v8;
	v7 =	vadd.f32 v12, v8;
	v12 =	vld [tilespmem:s19+$0xFFFFFFC0]  }
0x110: {  	v13 =	vadd.f32 v13, v10;
	[tilespmem:s5+$0xFFFFFF20] =	vst v17;
	v17 =	vld [tilespmem:s5+$0xB0]  }
0x111: {  	[tilespmem:s5+$0xF0] =	vst v6;
	v6 =	vadd.f32 v14, v9;
	v14 =	vld [tilespmem:s5+$0xFFFFFF40]  }
0x112: {  	[tilespmem:s5+$0xFFFFFF30] =	vst v13;
	v13 =	vadd.f32 v15, v10;
	v15 =	vld [tilespmem:s5+$0xFFFFFF50]  }
0x113: {  	[tilespmem:s5+$0xFFFFFFA0] =	vst v6;
	v6 =	vadd.f32 v16, v9;
	v16 =	vld [tilespmem:s5+$0xFFFFFFC0]  }
0x114: {  	[tilespmem:s5+$0xFFFFFFB0] =	vst v13;
	v13 =	vadd.f32 v18, v10;
	v18 =	vld [tilespmem:s5+$0xFFFFFFD0]  }
0x115: {  	[tilespmem:s5+$0x20] =	vst v6;
	v6 =	vadd.f32 v19, v9;
	v9 =	vld [tilespmem:s5+$0x40]  }
0x116: {  	[tilespmem:s5+$0xFFFFFF10] =	vst v63;
	v19 =	vld [tilespmem:s5+$0xFFFFFFE0]  }
0x117: {  	[tilespmem:s5+$0x30] =	vst v13;
	v13 =	vadd.f32 v14, v20;
	v14 =	vld [tilespmem:s5+$0x50]  }
0x118: {  	v10 =	vadd.f32 v17, v10;
	v17 =	vld [tilespmem:s5+$0xFFFFFF60];
	[tilespmem:s5+$0xA0] =	vst v6  }
0x119: {  	v15 =	vadd.f32 v15, v21;
	v6 =	vld [tilespmem:s5+$0xC0];
	[tilespmem:s5+$0xFFFFFF40] =	vst v13  }
0x11a: {  	[tilespmem:s5+$0xB0] =	vst v10;
	v10 =	vadd.f32 v16, v20;
	v16 =	vld [tilespmem:s5+$0xD0]  }
0x11b: {  	v13 =	vld [tilespmem:s5+$0x90];
	[tilespmem:s5+$0xFFFFFF50] =	vst v15;
	v9 =	vadd.f32 v9, v20  }
0x11c: {  	v15 =	vadd.f32 v18, v21;
	v18 =	vld [tilespmem:s5+$0xFFFFFF70];
	[tilespmem:s5+$0xFFFFFFC0] =	vst v10;
	v10 =	vadd.f32 v14, v21  }
0x11d: {  	[tilespmem:s5+$0x40] =	vst v9;
	v9 =	vld [tilespmem:s5+$0xFFFFFFF0]  }
0x11e: {  	v14 =	vadd.f32 v6, v20;
	[tilespmem:s5+$0x50] =	vst v10;
	v10 =	vld [tilespmem:s5+$0x60]  }
0x11f: {  	[tilespmem:s5+$0xFFFFFFD0] =	vst v15;
	v6 =	vadd.f32 v11, v8;
	v11 =	vld [tilespmem:s5+$0x70];
	v15 =	vadd.f32 v16, v21  }
0x120: {  	s21 =	simm.s32 $0x0;
	v8 =	vadd.f32 v13, v8;
	v13 =	vld [tilespmem:s5+$0xE0];
	v16 =	vadd.f32 v19, v3;
	[tilespmem:s5+$0xC0] =	vst v14  }
0x121: {  	s7 =	sadd.s32 $0x200, s19;
	s6 =	smov.u32 s5;
	s23 =	smov.u32 s5;
	v5 =	vld [tilespmem:s5+$0x80];
	v14 =	vadd.f32 v17, v3;
	[tilespmem:s5+$0xD0] =	vst v15;
	v15 =	vadd.f32 v18, v0  }
.LBB2_11:
0x122: {  	v17 =	vld [tilespmem:s7+$0x30];
	[tilespmem:s6+$0xFFFFFF90] =	vst v6;
	v9 =	vadd.f32 v9, v0;
	s23 =	sadd.s32 $0x200, s23  }
0x123: {  	s21 =	sadd.s32 $0x4, s21;
	v6 =	vld [tilespmem:s23+$0xF0];
	[tilespmem:s6+$0x10] =	vst v7;
	v7 =	vadd.f32 v10, v3  }
0x124: {  	p0 =	slt.u32 s21, $0x1C;
	v10 =	vld [tilespmem:s7+$0xFFFFFFD0];
	[tilespmem:s6+$0x90] =	vst v8;
	v8 =	vadd.f32 v11, v0  }
0x125: {  	v11 =	vld [tilespmem:s23+$0xFFFFFF00];
	[tilespmem:s6+$0xFFFFFF60] =	vst v14;
	v13 =	vadd.f32 v13, v3  }
0x126: {  	v14 =	vld [tilespmem:s23+$0xFFFFFF10];
	v3 =	vadd.f32 v4, v12;
	v4 =	vadd.f32 v1, v12;
	[tilespmem:s6+$0xFFFFFF70] =	vst v15  }
0x127: {  	v15 =	vadd.f32 v2, v12;
	v12 =	vadd.f32 v5, v12;
	v1 =	vld [tilespmem:s23+$0xFFFFFF80];
	[tilespmem:s6+$0xFFFFFFE0] =	vst v16;
	v0 =	vmov v17  }
0x128: {  	v16 =	vld [tilespmem:s23+$0xFFFFFF90];
	v5 =	vadd.f32 v6, v0;
	[tilespmem:s6+$0xFFFFFF00] =	vst v3  }
0x129: {  	v2 =	vld [tilespmem:s23+$0x0];
	[tilespmem:s6+$0xFFFFFF80] =	vst v4  }
0x12a: {  	v3 =	vld [tilespmem:s7+$0x20];
	[tilespmem:s23+$0xF0] =	vst v5;
	v4 =	vmov v11  }
0x12b: {  	v17 =	vadd.f32 v14, v10;
	v11 =	vld [tilespmem:s23+$0x10];
	[tilespmem:s6+$0x0] =	vst v15  }
0x12c: {  	v5 =	vld [tilespmem:s23+$0x80];
	[tilespmem:s6+$0x80] =	vst v12  }
0x12d: {  	v6 =	vadd.f32 v16, v10;
	v12 =	vld [tilespmem:s23+$0x90];
	[tilespmem:s6+$0xFFFFFFF0] =	vst v9  }
0x12e: {  	v9 =	vld [tilespmem:s7+$0xFFFFFFE0];
	[tilespmem:s6+$0x60] =	vst v7  }
0x12f: {  	v14 =	vld [tilespmem:s7+$0xFFFFFFF0];
	[tilespmem:s6+$0x70] =	vst v8  }
0x130: {  	v7 =	vadd.f32 v11, v10;
	v11 =	vld [tilespmem:s23+$0xFFFFFF20];
	[tilespmem:s6+$0xE0] =	vst v13;
	s6 =	smov.u32 s23  }
0x131: {  	v13 =	vld [tilespmem:s23+$0xFFFFFF30]  }
0x132: {  	v8 =	vadd.f32 v12, v10;
	v10 =	vld [tilespmem:s23+$0xFFFFFFA0]  }
0x133: {  	v12 =	vld [tilespmem:s23+$0xFFFFFFB0]  }
0x134: {  	v15 =	vld [tilespmem:s23+$0x20]  }
0x135: {  	v11 =	vadd.f32 v11, v9;
	v16 =	vld [tilespmem:s23+$0x30]  }
0x136: {  	v13 =	vadd.f32 v13, v14;
	v18 =	vld [tilespmem:s23+$0xA0]  }
0x137: {  	[tilespmem:s23+$0xFFFFFF20] =	vst v11;
	v10 =	vadd.f32 v10, v9;
	v11 =	vld [tilespmem:s23+$0xB0]  }
0x138: {  	[tilespmem:s23+$0xFFFFFF30] =	vst v13;
	v12 =	vadd.f32 v12, v14;
	v13 =	vld [tilespmem:s7+$0x0]  }
0x139: {  	[tilespmem:s23+$0xFFFFFFA0] =	vst v10;
	v10 =	vadd.f32 v15, v9;
	v15 =	vld [tilespmem:s7+$0x10]  }
0x13a: {  	[tilespmem:s23+$0xFFFFFFB0] =	vst v12;
	v12 =	vadd.f32 v16, v14;
	v16 =	vld [tilespmem:s23+$0xFFFFFF40]  }
0x13b: {  	[tilespmem:s23+$0x20] =	vst v10;
	v9 =	vadd.f32 v18, v9;
	v10 =	vld [tilespmem:s23+$0xFFFFFF50]  }
0x13c: {  	[tilespmem:s23+$0x30] =	vst v12;
	v11 =	vadd.f32 v11, v14;
	v12 =	vld [tilespmem:s23+$0xFFFFFFC0]  }
0x13d: {  	[tilespmem:s23+$0xA0] =	vst v9;
	v9 =	vld [tilespmem:s23+$0xFFFFFFD0]  }
0x13e: {  	[tilespmem:s23+$0xB0] =	vst v11;
	v11 =	vld [tilespmem:s23+$0x40]  }
0x13f: {  	v14 =	vadd.f32 v16, v13;
	v16 =	vld [tilespmem:s23+$0x50]  }
0x140: {  	v10 =	vadd.f32 v10, v15;
	v18 =	vld [tilespmem:s23+$0xC0]  }
0x141: {  	[tilespmem:s23+$0xFFFFFF40] =	vst v14;
	v12 =	vadd.f32 v12, v13;
	v14 =	vld [tilespmem:s23+$0xD0]  }
0x142: {  	[tilespmem:s23+$0xFFFFFF50] =	vst v10;
	v9 =	vadd.f32 v9, v15;
	v19 =	vld [tilespmem:s23+$0xFFFFFF60]  }
0x143: {  	[tilespmem:s23+$0xFFFFFFC0] =	vst v12;
	v10 =	vadd.f32 v11, v13;
	v12 =	vld [tilespmem:s23+$0xFFFFFF70]  }
0x144: {  	[tilespmem:s23+$0xFFFFFFD0] =	vst v9;
	v11 =	vadd.f32 v16, v15;
	v16 =	vld [tilespmem:s23+$0xFFFFFFE0]  }
.Ltmp4:
0x145: {  	[tilespmem:s23+$0x40] =	vst v10;
	v13 =	vadd.f32 v18, v13;
	v9 =	vld [tilespmem:s23+$0xFFFFFFF0];
	(pc) =	sbr.rel @p0 .LBB2_11-.Ltmp4, $4  }
0x146: {  	[tilespmem:s23+$0x50] =	vst v11;
	v15 =	vadd.f32 v14, v15;
	v10 =	vld [tilespmem:s23+$0x60]  }
0x147: {  	[tilespmem:s23+$0xC0] =	vst v13;
	v14 =	vadd.f32 v19, v3;
	v11 =	vld [tilespmem:s23+$0x70]  }
0x148: {  	[tilespmem:s23+$0xD0] =	vst v15;
	v15 =	vadd.f32 v12, v0;
	v13 =	vld [tilespmem:s23+$0xE0]  }
0x149: {  	v12 =	vld [tilespmem:s7+$0xFFFFFFC0];
	[tilespmem:s23+$0xFFFFFF10] =	vst v17;
	v16 =	vadd.f32 v16, v3;
	s7 =	sadd.s32 $0x200, s7  }
0x14a: {  	[tilespmem:s6+$0xFFFFFF90] =	vst v6  }
0x14b: {  	[tilespmem:s6+$0x10] =	vst v7  }
0x14c: {  	[tilespmem:s6+$0x90] =	vst v8  }
0x14d: {  	[tilespmem:s6+$0xFFFFFF60] =	vst v14  }
0x14e: {  	[tilespmem:s6+$0xFFFFFF70] =	vst v15;
	v60 =	vadd.f32 v9, v0  }
0x14f: {  	[tilespmem:s6+$0xFFFFFFE0] =	vst v16;
	v61 =	vadd.f32 v10, v3  }
0x150: {  	v62 =	vadd.f32 v11, v0;
	[tilespmem:s6+$0xFFFFFFF0] =	vst v60  }
0x151: {  	s4 =	sadd.s32 $0x1, s4;
	v63 =	vadd.f32 v13, v3;
	[tilespmem:s6+$0x60] =	vst v61  }
0x152: {  	p0 =	sne.s32 s4, $0x4;
	v4 =	vadd.f32 v4, v12;
	[tilespmem:s6+$0x70] =	vst v62  }
.Ltmp5:
0x153: {  	v1 =	vadd.f32 v1, v12;
	[tilespmem:s6+$0xE0] =	vst v63;
	(pc) =	sbr.rel @p0 .LBB2_10-.Ltmp5, $4  }
0x154: {  	v2 =	vadd.f32 v2, v12;
	[tilespmem:s6+$0xFFFFFF00] =	vst v4  }
0x155: {  	v59 =	vadd.f32 v5, v12;
	[tilespmem:s6+$0xFFFFFF80] =	vst v1  }
0x156: {  	[tilespmem:s6+$0x0] =	vst v2  }
0x157: {  	s5 =	sadd.s32 $0x1000, s5;
	s19 =	sadd.s32 $0x80, s19;
	[tilespmem:s6+$0x80] =	vst v59  }
0x158: {  	s4 =	simm.s32 $0x0;
	s5 =	simm.s32 $0x8000  }
0x159: {  	[hbm4b:s13+s4] =	stream.linear.scatter [tilespmem:s5], [sflag:$0xB], $0x4000, $0x38;
	[tilespmem:$0x14000] =	vst v63  }
0x15a: {  	_ =	swait.ge [sflag:s0], $0x4000  }
0x15b: {  	[sflag:s0] =	ssyncset.done $0x0  }
0x15c: {  	[sflag:s0] =	ssyncadd.s32 $0xFFFFC000  }
0x15d: {  	_ =	swait.ge [sflag:s1], $0x1000  }
0x15e: {  	[sflag:s1] =	ssyncset.done $0x0  }
0x15f: {  	s19 =	simm.s32 $0x13040;
	s5 =	simm.s32 $0xC100;
	[sflag:s1] =	ssyncadd.s32 $0xFFFFF000  }
.LBB2_14:
0x160: {  	v0 =	vld [tilespmem:s19+$0x30]  }
0x161: {  	v6 =	vld [tilespmem:s5+$0xF0]  }
0x162: {  	v8 =	vld [tilespmem:s19+$0xFFFFFFD0]  }
0x163: {  	v4 =	vld [tilespmem:s5+$0xFFFFFF00]  }
0x164: {  	v7 =	vld [tilespmem:s5+$0xFFFFFF10]  }
0x165: {  	v1 =	vld [tilespmem:s5+$0xFFFFFF80]  }
0x166: {  	v11 =	vld [tilespmem:s5+$0xFFFFFF90]  }
0x167: {  	v2 =	vld [tilespmem:s5+$0x0]  }
0x168: {  	v3 =	vld [tilespmem:s19+$0x20]  }
0x169: {  	v12 =	vld [tilespmem:s5+$0x10]  }
0x16a: {  	v9 =	vld [tilespmem:s19+$0xFFFFFFE0]  }
0x16b: {  	v10 =	vld [tilespmem:s19+$0xFFFFFFF0]  }
0x16c: {  	v5 =	vld [tilespmem:s5+$0xFFFFFF20]  }
0x16d: {  	v13 =	vld [tilespmem:s5+$0xFFFFFF30]  }
0x16e: {  	v14 =	vld [tilespmem:s5+$0xFFFFFFA0]  }
0x16f: {  	v15 =	vld [tilespmem:s5+$0xFFFFFFB0]  }
0x170: {  	v16 =	vld [tilespmem:s5+$0x20]  }
0x171: {  	v18 =	vld [tilespmem:s5+$0x30]  }
0x172: {  	v19 =	vld [tilespmem:s5+$0xA0]  }
0x173: {  	v20 =	vld [tilespmem:s19+$0x0]  }
0x174: {  	v21 =	vld [tilespmem:s19+$0x10];
	v17 =	vadd.f32 v5, v9;
	v6 =	vadd.f32 v6, v0  }
0x175: {  	v63 =	vadd.f32 v7, v8;
	v7 =	vadd.f32 v12, v8;
	v12 =	vld [tilespmem:s19+$0xFFFFFFC0]  }
0x176: {  	v13 =	vadd.f32 v13, v10;
	[tilespmem:s5+$0xFFFFFF20] =	vst v17;
	v17 =	vld [tilespmem:s5+$0xB0]  }
0x177: {  	[tilespmem:s5+$0xF0] =	vst v6;
	v6 =	vadd.f32 v14, v9;
	v14 =	vld [tilespmem:s5+$0xFFFFFF40]  }
0x178: {  	[tilespmem:s5+$0xFFFFFF30] =	vst v13;
	v13 =	vadd.f32 v15, v10;
	v15 =	vld [tilespmem:s5+$0xFFFFFF50]  }
0x179: {  	[tilespmem:s5+$0xFFFFFFA0] =	vst v6;
	v6 =	vadd.f32 v16, v9;
	v16 =	vld [tilespmem:s5+$0xFFFFFFC0]  }
0x17a: {  	[tilespmem:s5+$0xFFFFFFB0] =	vst v13;
	v13 =	vadd.f32 v18, v10;
	v18 =	vld [tilespmem:s5+$0xFFFFFFD0]  }
0x17b: {  	[tilespmem:s5+$0x20] =	vst v6;
	v6 =	vadd.f32 v19, v9;
	v9 =	vld [tilespmem:s5+$0x40]  }
0x17c: {  	[tilespmem:s5+$0xFFFFFF10] =	vst v63;
	v19 =	vld [tilespmem:s5+$0xFFFFFFE0]  }
0x17d: {  	[tilespmem:s5+$0x30] =	vst v13;
	v13 =	vadd.f32 v14, v20;
	v14 =	vld [tilespmem:s5+$0x50]  }
0x17e: {  	v10 =	vadd.f32 v17, v10;
	v17 =	vld [tilespmem:s5+$0xFFFFFF60];
	[tilespmem:s5+$0xA0] =	vst v6  }
0x17f: {  	v15 =	vadd.f32 v15, v21;
	v6 =	vld [tilespmem:s5+$0xC0];
	[tilespmem:s5+$0xFFFFFF40] =	vst v13  }
0x180: {  	[tilespmem:s5+$0xB0] =	vst v10;
	v10 =	vadd.f32 v16, v20;
	v16 =	vld [tilespmem:s5+$0xD0]  }
0x181: {  	v13 =	vld [tilespmem:s5+$0x90];
	[tilespmem:s5+$0xFFFFFF50] =	vst v15;
	v9 =	vadd.f32 v9, v20  }
0x182: {  	v15 =	vadd.f32 v18, v21;
	v18 =	vld [tilespmem:s5+$0xFFFFFF70];
	[tilespmem:s5+$0xFFFFFFC0] =	vst v10;
	v10 =	vadd.f32 v14, v21  }
0x183: {  	[tilespmem:s5+$0x40] =	vst v9;
	v9 =	vld [tilespmem:s5+$0xFFFFFFF0]  }
0x184: {  	v14 =	vadd.f32 v6, v20;
	[tilespmem:s5+$0x50] =	vst v10;
	v10 =	vld [tilespmem:s5+$0x60]  }
0x185: {  	[tilespmem:s5+$0xFFFFFFD0] =	vst v15;
	v6 =	vadd.f32 v11, v8;
	v11 =	vld [tilespmem:s5+$0x70];
	v15 =	vadd.f32 v16, v21  }
0x186: {  	s21 =	simm.s32 $0x0;
	v8 =	vadd.f32 v13, v8;
	v13 =	vld [tilespmem:s5+$0xE0];
	v16 =	vadd.f32 v19, v3;
	[tilespmem:s5+$0xC0] =	vst v14  }
0x187: {  	s7 =	sadd.s32 $0x200, s19;
	s6 =	smov.u32 s5;
	s23 =	smov.u32 s5;
	v5 =	vld [tilespmem:s5+$0x80];
	v14 =	vadd.f32 v17, v3;
	[tilespmem:s5+$0xD0] =	vst v15;
	v15 =	vadd.f32 v18, v0  }
.LBB2_15:
0x188: {  	v17 =	vld [tilespmem:s7+$0x30];
	[tilespmem:s6+$0xFFFFFF90] =	vst v6;
	v9 =	vadd.f32 v9, v0;
	s23 =	sadd.s32 $0x200, s23  }
0x189: {  	s21 =	sadd.s32 $0x4, s21;
	v6 =	vld [tilespmem:s23+$0xF0];
	[tilespmem:s6+$0x10] =	vst v7;
	v7 =	vadd.f32 v10, v3  }
0x18a: {  	p0 =	slt.u32 s21, $0x1C;
	v10 =	vld [tilespmem:s7+$0xFFFFFFD0];
	[tilespmem:s6+$0x90] =	vst v8;
	v8 =	vadd.f32 v11, v0  }
0x18b: {  	v11 =	vld [tilespmem:s23+$0xFFFFFF00];
	[tilespmem:s6+$0xFFFFFF60] =	vst v14;
	v13 =	vadd.f32 v13, v3  }
0x18c: {  	v14 =	vld [tilespmem:s23+$0xFFFFFF10];
	v3 =	vadd.f32 v4, v12;
	v4 =	vadd.f32 v1, v12;
	[tilespmem:s6+$0xFFFFFF70] =	vst v15  }
0x18d: {  	v15 =	vadd.f32 v2, v12;
	v12 =	vadd.f32 v5, v12;
	v1 =	vld [tilespmem:s23+$0xFFFFFF80];
	[tilespmem:s6+$0xFFFFFFE0] =	vst v16;
	v0 =	vmov v17  }
0x18e: {  	v16 =	vld [tilespmem:s23+$0xFFFFFF90];
	v5 =	vadd.f32 v6, v0;
	[tilespmem:s6+$0xFFFFFF00] =	vst v3  }
0x18f: {  	v2 =	vld [tilespmem:s23+$0x0];
	[tilespmem:s6+$0xFFFFFF80] =	vst v4  }
0x190: {  	v3 =	vld [tilespmem:s7+$0x20];
	[tilespmem:s23+$0xF0] =	vst v5;
	v4 =	vmov v11  }
0x191: {  	v17 =	vadd.f32 v14, v10;
	v11 =	vld [tilespmem:s23+$0x10];
	[tilespmem:s6+$0x0] =	vst v15  }
0x192: {  	v5 =	vld [tilespmem:s23+$0x80];
	[tilespmem:s6+$0x80] =	vst v12  }
0x193: {  	v6 =	vadd.f32 v16, v10;
	v12 =	vld [tilespmem:s23+$0x90];
	[tilespmem:s6+$0xFFFFFFF0] =	vst v9  }
0x194: {  	v9 =	vld [tilespmem:s7+$0xFFFFFFE0];
	[tilespmem:s6+$0x60] =	vst v7  }
0x195: {  	v14 =	vld [tilespmem:s7+$0xFFFFFFF0];
	[tilespmem:s6+$0x70] =	vst v8  }
0x196: {  	v7 =	vadd.f32 v11, v10;
	v11 =	vld [tilespmem:s23+$0xFFFFFF20];
	[tilespmem:s6+$0xE0] =	vst v13;
	s6 =	smov.u32 s23  }
0x197: {  	v13 =	vld [tilespmem:s23+$0xFFFFFF30]  }
0x198: {  	v8 =	vadd.f32 v12, v10;
	v10 =	vld [tilespmem:s23+$0xFFFFFFA0]  }
0x199: {  	v12 =	vld [tilespmem:s23+$0xFFFFFFB0]  }
0x19a: {  	v15 =	vld [tilespmem:s23+$0x20]  }
0x19b: {  	v11 =	vadd.f32 v11, v9;
	v16 =	vld [tilespmem:s23+$0x30]  }
0x19c: {  	v13 =	vadd.f32 v13, v14;
	v18 =	vld [tilespmem:s23+$0xA0]  }
0x19d: {  	[tilespmem:s23+$0xFFFFFF20] =	vst v11;
	v10 =	vadd.f32 v10, v9;
	v11 =	vld [tilespmem:s23+$0xB0]  }
0x19e: {  	[tilespmem:s23+$0xFFFFFF30] =	vst v13;
	v12 =	vadd.f32 v12, v14;
	v13 =	vld [tilespmem:s7+$0x0]  }
0x19f: {  	[tilespmem:s23+$0xFFFFFFA0] =	vst v10;
	v10 =	vadd.f32 v15, v9;
	v15 =	vld [tilespmem:s7+$0x10]  }
0x1a0: {  	[tilespmem:s23+$0xFFFFFFB0] =	vst v12;
	v12 =	vadd.f32 v16, v14;
	v16 =	vld [tilespmem:s23+$0xFFFFFF40]  }
0x1a1: {  	[tilespmem:s23+$0x20] =	vst v10;
	v9 =	vadd.f32 v18, v9;
	v10 =	vld [tilespmem:s23+$0xFFFFFF50]  }
0x1a2: {  	[tilespmem:s23+$0x30] =	vst v12;
	v11 =	vadd.f32 v11, v14;
	v12 =	vld [tilespmem:s23+$0xFFFFFFC0]  }
0x1a3: {  	[tilespmem:s23+$0xA0] =	vst v9;
	v9 =	vld [tilespmem:s23+$0xFFFFFFD0]  }
0x1a4: {  	[tilespmem:s23+$0xB0] =	vst v11;
	v11 =	vld [tilespmem:s23+$0x40]  }
0x1a5: {  	v14 =	vadd.f32 v16, v13;
	v16 =	vld [tilespmem:s23+$0x50]  }
0x1a6: {  	v10 =	vadd.f32 v10, v15;
	v18 =	vld [tilespmem:s23+$0xC0]  }
0x1a7: {  	[tilespmem:s23+$0xFFFFFF40] =	vst v14;
	v12 =	vadd.f32 v12, v13;
	v14 =	vld [tilespmem:s23+$0xD0]  }
0x1a8: {  	[tilespmem:s23+$0xFFFFFF50] =	vst v10;
	v9 =	vadd.f32 v9, v15;
	v19 =	vld [tilespmem:s23+$0xFFFFFF60]  }
0x1a9: {  	[tilespmem:s23+$0xFFFFFFC0] =	vst v12;
	v10 =	vadd.f32 v11, v13;
	v12 =	vld [tilespmem:s23+$0xFFFFFF70]  }
0x1aa: {  	[tilespmem:s23+$0xFFFFFFD0] =	vst v9;
	v11 =	vadd.f32 v16, v15;
	v16 =	vld [tilespmem:s23+$0xFFFFFFE0]  }
.Ltmp6:
0x1ab: {  	[tilespmem:s23+$0x40] =	vst v10;
	v13 =	vadd.f32 v18, v13;
	v9 =	vld [tilespmem:s23+$0xFFFFFFF0];
	(pc) =	sbr.rel @p0 .LBB2_15-.Ltmp6, $4  }
0x1ac: {  	[tilespmem:s23+$0x50] =	vst v11;
	v15 =	vadd.f32 v14, v15;
	v10 =	vld [tilespmem:s23+$0x60]  }
0x1ad: {  	[tilespmem:s23+$0xC0] =	vst v13;
	v14 =	vadd.f32 v19, v3;
	v11 =	vld [tilespmem:s23+$0x70]  }
0x1ae: {  	[tilespmem:s23+$0xD0] =	vst v15;
	v15 =	vadd.f32 v12, v0;
	v13 =	vld [tilespmem:s23+$0xE0]  }
0x1af: {  	v12 =	vld [tilespmem:s7+$0xFFFFFFC0];
	[tilespmem:s23+$0xFFFFFF10] =	vst v17;
	v16 =	vadd.f32 v16, v3;
	s7 =	sadd.s32 $0x200, s7  }
0x1b0: {  	[tilespmem:s6+$0xFFFFFF90] =	vst v6  }
0x1b1: {  	[tilespmem:s6+$0x10] =	vst v7  }
0x1b2: {  	[tilespmem:s6+$0x90] =	vst v8  }
0x1b3: {  	[tilespmem:s6+$0xFFFFFF60] =	vst v14  }
0x1b4: {  	[tilespmem:s6+$0xFFFFFF70] =	vst v15;
	v60 =	vadd.f32 v9, v0  }
0x1b5: {  	[tilespmem:s6+$0xFFFFFFE0] =	vst v16;
	v61 =	vadd.f32 v10, v3  }
0x1b6: {  	v62 =	vadd.f32 v11, v0;
	[tilespmem:s6+$0xFFFFFFF0] =	vst v60  }
0x1b7: {  	s4 =	sadd.s32 $0x1, s4;
	v63 =	vadd.f32 v13, v3;
	[tilespmem:s6+$0x60] =	vst v61  }
0x1b8: {  	p0 =	sne.s32 s4, $0x4;
	v4 =	vadd.f32 v4, v12;
	[tilespmem:s6+$0x70] =	vst v62  }
.Ltmp7:
0x1b9: {  	v1 =	vadd.f32 v1, v12;
	[tilespmem:s6+$0xE0] =	vst v63;
	(pc) =	sbr.rel @p0 .LBB2_14-.Ltmp7, $4  }
0x1ba: {  	v2 =	vadd.f32 v2, v12;
	[tilespmem:s6+$0xFFFFFF00] =	vst v4  }
0x1bb: {  	v59 =	vadd.f32 v5, v12;
	[tilespmem:s6+$0xFFFFFF80] =	vst v1  }
0x1bc: {  	[tilespmem:s6+$0x0] =	vst v2  }
0x1bd: {  	s5 =	sadd.s32 $0x1000, s5;
	s19 =	sadd.s32 $0x80, s19;
	[tilespmem:s6+$0x80] =	vst v59  }
0x1be: {  	s6 =	simm.s32 $0xC000  }
0x1bf: {  	[hbm4b:s14+s2] =	stream.linear.scatter [tilespmem:s6], [sflag:$0xC], $0x4000, $0x38;
	[tilespmem:$0x14000] =	vst v63  }
0x1c0: {  	_ =	swait.ge [sflag:s18], $0x4000  }
0x1c1: {  	[sflag:s18] =	ssyncset.done $0x0  }
0x1c2: {  	[sflag:s18] =	ssyncadd.s32 $0xFFFFC000  }
0x1c3: {  	_ =	swait.ge [sflag:s20], $0x4000  }
0x1c4: {  	[sflag:s20] =	ssyncset.done $0x0  }
0x1c5: {  	s3 =	sadd.s32 $0x1, s3;
	[sflag:s20] =	ssyncadd.s32 $0xFFFFC000  }
0x1c6: {  	p0 =	sne.s32 s3, s15;
	_ =	swait.ge [sflag:s22], $0x4000  }
.Ltmp8:
0x1c7: {  	[sflag:s22] =	ssyncset.done $0x0;
	(pc) =	sbr.rel @p0 .LBB2_1-.Ltmp8, $4  }
0x1c8: {  	[sflag:s22] =	ssyncadd.s32 $0xFFFFC000  }
0x1c9: {  	_ =	swait.ge [sflag:s24], $0x4000  }
0x1ca: {  	[sflag:s24] =	ssyncset.done $0x0  }
0x1cb: {  	[sflag:s24] =	ssyncadd.s32 $0xFFFFC000  }
0x1cc: {  	_ =	sfence.sel $0x180000  }
0x1cd: {  	[bflag:$0x0] =	sbarrier.arrive $0xFFFF  }
0x1ce: {  	_ =	strace $0x90000047  }
0x1cf: {  	s0 =	stileid.u32;
	[bflag:$0x2] =	sbarrier.arrive $0xFFFF  }
0x1d0: {  	p0 =	sne.s32 s0, $0x0;
	s0 =	rddreg [dreg:$0x3]  }
0x1d1: {  	s0 =	sadd.s32 @!p0 $0x100000, s0  }
0x1d2: {  	[sflag:s0] =	ssyncadd.tile.s32 @!p0 $0x1;
	_ =	shalt  }
.Lfunc_end2:
_tile_overlayer_lowered:
.L_overlay_start_2:
0x1d3: {  	(tag) =	ssettag $0x2  }
0x1d4: {  	s0 =	rddreg [dreg:$0x0];
	s2 =	stileid.u32  }
0x1d5: {  	s1 =	rddreg [dreg:$0x1];
	p0 =	sne.s32 s2, $0x0  }
0x1d6: {  	s3 =	rddreg [dreg:$0x2];
	[bflag:$0x3] =	sbarrier.arrive $0xFFFF;
	s2 =	simm.s32 @!p0 $0x1C0D  }
0x1d7: {  	[timem:s3], [sflag:s2] =	dma.local @!p0 [hbm:s0], s1  }
0x1d8: {  	s0 =	simm.s32 @!p0 $0xD  }
0x1d9: {  	_ =	swait.ge @!p0 [sflag:s0], s1  }
0x1da: {  	s1 =	ssub.s32 @!p0 $0x0, s1;
	[sflag:s0] =	ssyncset.done @!p0 $0x0  }
0x1db: {  	[sflag:s0] =	ssyncadd.s32 @!p0 s1  }
0x1dc: {  	[bflag:$0x3] =	sbarrier.arrive $0xFFFF  }
0x1dd: {  	_ =	shalt  }

</sc_bundles>
